<compile_context>
chip_gen: v7x
topology: tpu7x:2x2x1
jax: 0.10.2.dev20260603
libtpu: 0.0.44.dev20260713+nightly
codegen_flags: <defaults>
</compile_context>

<pallas_src>
import jax
import jax.numpy as jnp
from jax import lax
from jax.experimental import pallas as pl
from jax.experimental.pallas import tpu as pltpu
from jax.experimental.pallas import tpu_sc as plsc

_VOCAB = 100000
_D = 128
_BATCH = 4096
_HIST = 50
_NC = 2
_NS = 16
_NW = _NC * _NS
_BPW = _BATCH // _NW
_NSETS = 6
_LEAD = 4
_WLAG = _NSETS - _LEAD
_NPH = -(-(_HIST + _WLAG) // _NSETS) * _NSETS


def _embed_body(idx_hbm, table_hbm, out_hbm, idx_v, bufs, sg0, sg1, sg2, sg3,
                sg4, sg5, sw0, sw1, sw2, sw3, sw4, sw5):
    sg = (sg0, sg1, sg2, sg3, sg4, sg5)
    sw = (sw0, sw1, sw2, sw3, sw4, sw5)
    wid = lax.axis_index("s") * _NC + lax.axis_index("c")
    b0 = wid * _BPW
    pltpu.sync_copy(idx_hbm.at[:, pl.ds(b0, _BPW)], idx_v)

    def fire_gather(t, s):
        pltpu.async_copy(table_hbm.at[idx_v.at[t]], bufs.at[s], sg[s])

    def drain_gather(s):
        pltpu.make_async_copy(table_hbm.at[idx_v.at[0]], bufs.at[s],
                              sg[s]).wait()

    def fire_write(t, s):
        pltpu.async_copy(bufs.at[s], out_hbm.at[t, pl.ds(b0, _BPW)], sw[s])

    def drain_write(s):
        pltpu.make_async_copy(bufs.at[s], out_hbm.at[0, pl.ds(b0, _BPW)],
                              sw[s]).wait()

    for c in range(_LEAD):
        fire_gather(c, c)

    @pl.loop(0, _NPH // _NSETS)
    def _(i):
        for p in range(_NSETS):
            m = i * _NSETS + p
            @pl.when(m < _HIST)
            def _():
                drain_gather(p)
                fire_write(m, p)
            s_next = (p + _LEAD) % _NSETS
            @pl.when(jnp.logical_and(m >= _WLAG, m - _WLAG < _HIST))
            def _():
                drain_write(s_next)

            @pl.when(m + _LEAD < _HIST)
            def _():
                fire_gather(m + _LEAD, s_next)


@jax.jit
def kernel(input_ids, weight):
    idx_t = input_ids.astype(jnp.int32).T
    out_t = pl.kernel(
        _embed_body,
        out_type=jax.ShapeDtypeStruct((_HIST, _BATCH, _D), jnp.float32),
        mesh=plsc.VectorSubcoreMesh(core_axis_name="c", subcore_axis_name="s"),
        scratch_types=[
            pltpu.VMEM((_HIST, _BPW), jnp.int32),
            pltpu.VMEM((_NSETS, _BPW, _D), jnp.float32),
        ] + [pltpu.SemaphoreType.DMA] * (2 * _NSETS),
    )(idx_t, weight)
    return out_t.transpose(1, 0, 2)

# --- scband reference (transcript-rebuilt; emitter-appended) ---
"""Pipeline reference for scband-custom-embedding-6262062317572 (READ-ONLY COPY).

The authoritative reference and input builder live on the scoring server;
editing this copy changes nothing except your own understanding.
"""

import jax, jax.numpy as jnp
import numpy as np

VOCAB_SIZE = 100000
EMBED_DIM = 128
BATCH = 4096
HIST_LEN = 50

def setup_inputs(seed: int = 0) -> dict:
    key = jax.random.key(seed)
    k_idx, k_w = jax.random.split(key)
    input_ids = jax.random.randint(k_idx, (BATCH, HIST_LEN), 0, VOCAB_SIZE, dtype=jnp.int64 if jax.config.jax_enable_x64 else jnp.int32)
    weight = jax.random.normal(k_w, (VOCAB_SIZE, EMBED_DIM), dtype=jnp.float32) * 0.02
    return {"input_ids": input_ids, "weight": weight}

def reference(input_ids, weight):
    # Faithful translation of: return self.weight[input_ids, :]
    return jnp.take(weight, input_ids, axis=0)

if __name__ == "__main__":
    import jax
    _d = setup_inputs()
    print(jax.jit(kernel)(*tuple(_d.values())))

</pallas_src>

<mosaic_0001>
#map = affine_map<(d0, d1) -> (0, 0)>
#map1 = affine_map<(d0, d1) -> (0, 0, 0)>
module attributes {stable_mosaic.version = 14 : i64} {
  func.func @_embed_body(%arg0: i32, %arg1: i32, %arg2: memref<50x4096xi32, #tpu.memory_space<hbm>>, %arg3: memref<100000x128xf32, #tpu.memory_space<hbm>>, %arg4: memref<50x4096x128xf32, #tpu.memory_space<hbm>>, %arg5: memref<50x128xi32, #tpu.memory_space<vmem>>, %arg6: memref<6x128x128xf32, #tpu.memory_space<vmem>>, %arg7: memref<!tpu.dma_semaphore, #tpu.memory_space<semaphore_mem>>, %arg8: memref<!tpu.dma_semaphore, #tpu.memory_space<semaphore_mem>>, %arg9: memref<!tpu.dma_semaphore, #tpu.memory_space<semaphore_mem>>, %arg10: memref<!tpu.dma_semaphore, #tpu.memory_space<semaphore_mem>>, %arg11: memref<!tpu.dma_semaphore, #tpu.memory_space<semaphore_mem>>, %arg12: memref<!tpu.dma_semaphore, #tpu.memory_space<semaphore_mem>>, %arg13: memref<!tpu.dma_semaphore, #tpu.memory_space<semaphore_mem>>, %arg14: memref<!tpu.dma_semaphore, #tpu.memory_space<semaphore_mem>>, %arg15: memref<!tpu.dma_semaphore, #tpu.memory_space<semaphore_mem>>, %arg16: memref<!tpu.dma_semaphore, #tpu.memory_space<semaphore_mem>>, %arg17: memref<!tpu.dma_semaphore, #tpu.memory_space<semaphore_mem>>, %arg18: memref<!tpu.dma_semaphore, #tpu.memory_space<semaphore_mem>>) attributes {dimension_semantics = [#tpu.dimension_semantics<core_parallel>, #tpu.dimension_semantics<subcore_parallel>], iteration_bounds = array<i64: 2, 16>, scalar_prefetch = 0 : i64, scratch_operands = 14 : i64, tpu.core_type = #tpu.core_type<sc_vector_subcore>, window_params = [{transform_indices = #map}, {transform_indices = #map}, {transform_indices = #map1}]} {
    %mul3A = arith.constant 2 : i32
    %mul3A_0 = arith.muli %arg1, %mul3A : i32
    %add3A = arith.addi %mul3A_0, %arg0 : i32
    %mul3A_1 = arith.constant 128 : i32
    %mul3A_2 = arith.muli %add3A, %mul3A_1 : i32
    "tpu.region"() ({
      %run_scoped3A = tpu.sem_alloc : memref<!tpu.dma_semaphore, #tpu.memory_space<semaphore_mem>>
      %dma_start3A_54 = arith.constant 0 : i32
      %dma_start3A_55 = tpu.memref_slice %arg2[%dma_start3A_54, %mul3A_2] : memref<50x4096xi32, #tpu.memory_space<hbm>> -> memref<50x128xi32, #tpu.memory_space<hbm>>
      %dma_start3A_56 = arith.constant 0 : i32
      %dma_start3A_57 = tpu.memref_slice %arg2[%dma_start3A_56, %mul3A_2] : memref<50x4096xi32, #tpu.memory_space<hbm>> -> memref<50x128xi32, #tpu.memory_space<hbm>>
      tpu.enqueue_dma source(%dma_start3A_57 : memref<50x128xi32, #tpu.memory_space<hbm>>) target(%arg5 : memref<50x128xi32, #tpu.memory_space<vmem>>) target_semaphore(%run_scoped3A : memref<!tpu.dma_semaphore, #tpu.memory_space<semaphore_mem>>)
      %dma_wait3A = arith.constant 0 : i32
      %dma_wait3A_58 = tpu.memref_slice %arg2[%dma_wait3A, %mul3A_2] : memref<50x4096xi32, #tpu.memory_space<hbm>> -> memref<50x128xi32, #tpu.memory_space<hbm>>
      %dma_wait3A_59 = arith.constant 0 : i32
      %dma_wait3A_60 = tpu.memref_slice %arg2[%dma_wait3A_59, %mul3A_2] : memref<50x4096xi32, #tpu.memory_space<hbm>> -> memref<50x128xi32, #tpu.memory_space<hbm>>
      tpu.wait_dma2 semaphore(%run_scoped3A : memref<!tpu.dma_semaphore, #tpu.memory_space<semaphore_mem>>) src(%dma_wait3A_60 : memref<50x128xi32, #tpu.memory_space<hbm>>) dst(%arg5 : memref<50x128xi32, #tpu.memory_space<vmem>>)
      tpu.yield
    }) : () -> ()
    %dma_start3A = arith.constant 0 : i32
    %dma_start3A_3 = arith.constant 0 : i32
    %dma_start3A_4 = arith.constant 0 : i32
    %dma_start3A_5 = arith.constant 0 : i32
    %dma_start3A_6 = tpu.memref_slice %arg6[%dma_start3A_3, %dma_start3A_4, %dma_start3A_5] : memref<6x128x128xf32, #tpu.memory_space<vmem>> -> memref<1x128x128xf32, #tpu.memory_space<vmem>>
    %dma_start3A_7 = tpu.memref_squeeze %dma_start3A_6 : memref<1x128x128xf32, #tpu.memory_space<vmem>> -> memref<128x128xf32, #tpu.memory_space<vmem>>
    %dma_start3A_8 = arith.constant 0 : i32
    %dma_start3A_9 = tpu.memref_slice %arg5[%dma_start3A, %dma_start3A_8] : memref<50x128xi32, #tpu.memory_space<vmem>> -> memref<1x128xi32, #tpu.memory_space<vmem>>
    %dma_start3A_10 = tpu.memref_squeeze %dma_start3A_9 : memref<1x128xi32, #tpu.memory_space<vmem>> -> memref<128xi32, #tpu.memory_space<vmem>>
    %dma_start3A_11 = arith.constant 0 : i32
    %dma_start3A_12 = arith.constant 0 : i32
    %dma_start3A_13 = tpu.memref_slice %arg3[%dma_start3A_11, %dma_start3A_12] : memref<100000x128xf32, #tpu.memory_space<hbm>> -> memref<100000x128xf32, #tpu.memory_space<hbm>>
    tpu.enqueue_indirect_dma source(%dma_start3A_13 : memref<100000x128xf32, #tpu.memory_space<hbm>>) target(%dma_start3A_7 : memref<128x128xf32, #tpu.memory_space<vmem>>) offsets(%dma_start3A_10 : memref<128xi32, #tpu.memory_space<vmem>>) semaphore(%arg7 : memref<!tpu.dma_semaphore, #tpu.memory_space<semaphore_mem>>)
    %dma_start3A_14 = arith.constant 1 : i32
    %dma_start3A_15 = arith.constant 1 : i32
    %dma_start3A_16 = arith.constant 0 : i32
    %dma_start3A_17 = arith.constant 0 : i32
    %dma_start3A_18 = tpu.memref_slice %arg6[%dma_start3A_15, %dma_start3A_16, %dma_start3A_17] : memref<6x128x128xf32, #tpu.memory_space<vmem>> -> memref<1x128x128xf32, #tpu.memory_space<vmem>>
    %dma_start3A_19 = tpu.memref_squeeze %dma_start3A_18 : memref<1x128x128xf32, #tpu.memory_space<vmem>> -> memref<128x128xf32, #tpu.memory_space<vmem>>
    %dma_start3A_20 = arith.constant 0 : i32
    %dma_start3A_21 = tpu.memref_slice %arg5[%dma_start3A_14, %dma_start3A_20] : memref<50x128xi32, #tpu.memory_space<vmem>> -> memref<1x128xi32, #tpu.memory_space<vmem>>
    %dma_start3A_22 = tpu.memref_squeeze %dma_start3A_21 : memref<1x128xi32, #tpu.memory_space<vmem>> -> memref<128xi32, #tpu.memory_space<vmem>>
    %dma_start3A_23 = arith.constant 0 : i32
    %dma_start3A_24 = arith.constant 0 : i32
    %dma_start3A_25 = tpu.memref_slice %arg3[%dma_start3A_23, %dma_start3A_24] : memref<100000x128xf32, #tpu.memory_space<hbm>> -> memref<100000x128xf32, #tpu.memory_space<hbm>>
    tpu.enqueue_indirect_dma source(%dma_start3A_25 : memref<100000x128xf32, #tpu.memory_space<hbm>>) target(%dma_start3A_19 : memref<128x128xf32, #tpu.memory_space<vmem>>) offsets(%dma_start3A_22 : memref<128xi32, #tpu.memory_space<vmem>>) semaphore(%arg8 : memref<!tpu.dma_semaphore, #tpu.memory_space<semaphore_mem>>)
    %dma_start3A_26 = arith.constant 2 : i32
    %dma_start3A_27 = arith.constant 2 : i32
    %dma_start3A_28 = arith.constant 0 : i32
    %dma_start3A_29 = arith.constant 0 : i32
    %dma_start3A_30 = tpu.memref_slice %arg6[%dma_start3A_27, %dma_start3A_28, %dma_start3A_29] : memref<6x128x128xf32, #tpu.memory_space<vmem>> -> memref<1x128x128xf32, #tpu.memory_space<vmem>>
    %dma_start3A_31 = tpu.memref_squeeze %dma_start3A_30 : memref<1x128x128xf32, #tpu.memory_space<vmem>> -> memref<128x128xf32, #tpu.memory_space<vmem>>
    %dma_start3A_32 = arith.constant 0 : i32
    %dma_start3A_33 = tpu.memref_slice %arg5[%dma_start3A_26, %dma_start3A_32] : memref<50x128xi32, #tpu.memory_space<vmem>> -> memref<1x128xi32, #tpu.memory_space<vmem>>
    %dma_start3A_34 = tpu.memref_squeeze %dma_start3A_33 : memref<1x128xi32, #tpu.memory_space<vmem>> -> memref<128xi32, #tpu.memory_space<vmem>>
    %dma_start3A_35 = arith.constant 0 : i32
    %dma_start3A_36 = arith.constant 0 : i32
    %dma_start3A_37 = tpu.memref_slice %arg3[%dma_start3A_35, %dma_start3A_36] : memref<100000x128xf32, #tpu.memory_space<hbm>> -> memref<100000x128xf32, #tpu.memory_space<hbm>>
    tpu.enqueue_indirect_dma source(%dma_start3A_37 : memref<100000x128xf32, #tpu.memory_space<hbm>>) target(%dma_start3A_31 : memref<128x128xf32, #tpu.memory_space<vmem>>) offsets(%dma_start3A_34 : memref<128xi32, #tpu.memory_space<vmem>>) semaphore(%arg9 : memref<!tpu.dma_semaphore, #tpu.memory_space<semaphore_mem>>)
    %dma_start3A_38 = arith.constant 3 : i32
    %dma_start3A_39 = arith.constant 3 : i32
    %dma_start3A_40 = arith.constant 0 : i32
    %dma_start3A_41 = arith.constant 0 : i32
    %dma_start3A_42 = tpu.memref_slice %arg6[%dma_start3A_39, %dma_start3A_40, %dma_start3A_41] : memref<6x128x128xf32, #tpu.memory_space<vmem>> -> memref<1x128x128xf32, #tpu.memory_space<vmem>>
    %dma_start3A_43 = tpu.memref_squeeze %dma_start3A_42 : memref<1x128x128xf32, #tpu.memory_space<vmem>> -> memref<128x128xf32, #tpu.memory_space<vmem>>
    %dma_start3A_44 = arith.constant 0 : i32
    %dma_start3A_45 = tpu.memref_slice %arg5[%dma_start3A_38, %dma_start3A_44] : memref<50x128xi32, #tpu.memory_space<vmem>> -> memref<1x128xi32, #tpu.memory_space<vmem>>
    %dma_start3A_46 = tpu.memref_squeeze %dma_start3A_45 : memref<1x128xi32, #tpu.memory_space<vmem>> -> memref<128xi32, #tpu.memory_space<vmem>>
    %dma_start3A_47 = arith.constant 0 : i32
    %dma_start3A_48 = arith.constant 0 : i32
    %dma_start3A_49 = tpu.memref_slice %arg3[%dma_start3A_47, %dma_start3A_48] : memref<100000x128xf32, #tpu.memory_space<hbm>> -> memref<100000x128xf32, #tpu.memory_space<hbm>>
    tpu.enqueue_indirect_dma source(%dma_start3A_49 : memref<100000x128xf32, #tpu.memory_space<hbm>>) target(%dma_start3A_43 : memref<128x128xf32, #tpu.memory_space<vmem>>) offsets(%dma_start3A_46 : memref<128xi32, #tpu.memory_space<vmem>>) semaphore(%arg10 : memref<!tpu.dma_semaphore, #tpu.memory_space<semaphore_mem>>)
    %scan3A = arith.constant 0 : i32
    %scan3A_50 = arith.constant 9 : i32
    %scan3A_51 = arith.addi %scan3A, %scan3A_50 : i32
    %scan3A_52 = arith.constant 1 : i32
    scf.for %scan3A_54 = %scan3A to %scan3A_51 step %scan3A_52  : i32 {
      %mul3A_55 = arith.constant 1 : i32
      %mul3A_56 = arith.muli %scan3A_54, %mul3A_55 : i32
      %add3A_57 = arith.constant 0 : i32
      %add3A_58 = arith.addi %add3A_57, %mul3A_56 : i32
      %mul3A_59 = arith.constant 6 : i32
      %mul3A_60 = arith.muli %add3A_58, %mul3A_59 : i32
      %add3A_61 = arith.constant 0 : i32
      %add3A_62 = arith.addi %mul3A_60, %add3A_61 : i32
      %lt3A = arith.constant 50 : i32
      %lt3A_63 = arith.cmpi slt, %add3A_62, %lt3A : i32
      %convert_element_type3A = arith.extui %lt3A_63 : i1 to i32
      %cond3A = arith.constant 0 : i32
      %cond3A_64 = arith.cmpi ne, %convert_element_type3A, %cond3A : i32
      scf.if %cond3A_64 {
        %dma_wait3A = arith.constant 0 : i32
        %dma_wait3A_209 = arith.constant 0 : i32
        %dma_wait3A_210 = arith.constant 0 : i32
        %dma_wait3A_211 = arith.constant 0 : i32
        %dma_wait3A_212 = tpu.memref_slice %arg6[%dma_wait3A_209, %dma_wait3A_210, %dma_wait3A_211] : memref<6x128x128xf32, #tpu.memory_space<vmem>> -> memref<1x128x128xf32, #tpu.memory_space<vmem>>
        %dma_wait3A_213 = tpu.memref_squeeze %dma_wait3A_212 : memref<1x128x128xf32, #tpu.memory_space<vmem>> -> memref<128x128xf32, #tpu.memory_space<vmem>>
        %dma_wait3A_214 = arith.constant 0 : i32
        %dma_wait3A_215 = tpu.memref_slice %arg5[%dma_wait3A, %dma_wait3A_214] : memref<50x128xi32, #tpu.memory_space<vmem>> -> memref<1x128xi32, #tpu.memory_space<vmem>>
        %dma_wait3A_216 = tpu.memref_squeeze %dma_wait3A_215 : memref<1x128xi32, #tpu.memory_space<vmem>> -> memref<128xi32, #tpu.memory_space<vmem>>
        %dma_wait3A_217 = arith.constant 0 : i32
        %dma_wait3A_218 = arith.constant 0 : i32
        %dma_wait3A_219 = tpu.memref_slice %arg3[%dma_wait3A_217, %dma_wait3A_218] : memref<100000x128xf32, #tpu.memory_space<hbm>> -> memref<100000x128xf32, #tpu.memory_space<hbm>>
        tpu.wait_indirect_dma semaphore(%arg7 : memref<!tpu.dma_semaphore, #tpu.memory_space<semaphore_mem>>) src(%dma_wait3A_219 : memref<100000x128xf32, #tpu.memory_space<hbm>>) dst(%dma_wait3A_213 : memref<128x128xf32, #tpu.memory_space<vmem>>)
        %dma_start3A_220 = arith.constant 0 : i32
        %dma_start3A_221 = arith.constant 0 : i32
        %dma_start3A_222 = arith.constant 0 : i32
        %dma_start3A_223 = tpu.memref_slice %arg6[%dma_start3A_220, %dma_start3A_221, %dma_start3A_222] : memref<6x128x128xf32, #tpu.memory_space<vmem>> -> memref<1x128x128xf32, #tpu.memory_space<vmem>>
        %dma_start3A_224 = tpu.memref_squeeze %dma_start3A_223 : memref<1x128x128xf32, #tpu.memory_space<vmem>> -> memref<128x128xf32, #tpu.memory_space<vmem>>
        %dma_start3A_225 = arith.constant 0 : i32
        %dma_start3A_226 = tpu.memref_slice %arg4[%add3A_62, %mul3A_2, %dma_start3A_225] : memref<50x4096x128xf32, #tpu.memory_space<hbm>> -> memref<1x128x128xf32, #tpu.memory_space<hbm>>
        %dma_start3A_227 = tpu.memref_squeeze %dma_start3A_226 : memref<1x128x128xf32, #tpu.memory_space<hbm>> -> memref<128x128xf32, #tpu.memory_space<hbm>>
        %dma_start3A_228 = arith.constant 0 : i32
        %dma_start3A_229 = tpu.memref_slice %arg4[%add3A_62, %mul3A_2, %dma_start3A_228] : memref<50x4096x128xf32, #tpu.memory_space<hbm>> -> memref<1x128x128xf32, #tpu.memory_space<hbm>>
        %dma_start3A_230 = tpu.memref_squeeze %dma_start3A_229 : memref<1x128x128xf32, #tpu.memory_space<hbm>> -> memref<128x128xf32, #tpu.memory_space<hbm>>
        %dma_start3A_231 = arith.constant 0 : i32
        %dma_start3A_232 = arith.constant 0 : i32
        %dma_start3A_233 = tpu.memref_slice %arg6[%dma_start3A_220, %dma_start3A_231, %dma_start3A_232] : memref<6x128x128xf32, #tpu.memory_space<vmem>> -> memref<1x128x128xf32, #tpu.memory_space<vmem>>
        %dma_start3A_234 = tpu.memref_squeeze %dma_start3A_233 : memref<1x128x128xf32, #tpu.memory_space<vmem>> -> memref<128x128xf32, #tpu.memory_space<vmem>>
        tpu.enqueue_dma source(%dma_start3A_234 : memref<128x128xf32, #tpu.memory_space<vmem>>) target(%dma_start3A_230 : memref<128x128xf32, #tpu.memory_space<hbm>>) target_semaphore(%arg13 : memref<!tpu.dma_semaphore, #tpu.memory_space<semaphore_mem>>)
      } else {
      }
      %ge3A = arith.constant 2 : i32
      %ge3A_65 = arith.cmpi sge, %add3A_62, %ge3A : i32
      %sub3A = arith.constant 2 : i32
      %sub3A_66 = arith.subi %add3A_62, %sub3A : i32
      %lt3A_67 = arith.constant 50 : i32
      %lt3A_68 = arith.cmpi slt, %sub3A_66, %lt3A_67 : i32
      %and3A = arith.andi %ge3A_65, %lt3A_68 : i1
      %convert_element_type3A_69 = arith.extui %and3A : i1 to i32
      %cond3A_70 = arith.constant 0 : i32
      %cond3A_71 = arith.cmpi ne, %convert_element_type3A_69, %cond3A_70 : i32
      scf.if %cond3A_71 {
        %dma_wait3A = arith.constant 4 : i32
        %dma_wait3A_209 = arith.constant 0 : i32
        %dma_wait3A_210 = arith.constant 0 : i32
        %dma_wait3A_211 = arith.constant 0 : i32
        %dma_wait3A_212 = tpu.memref_slice %arg6[%dma_wait3A, %dma_wait3A_210, %dma_wait3A_211] : memref<6x128x128xf32, #tpu.memory_space<vmem>> -> memref<1x128x128xf32, #tpu.memory_space<vmem>>
        %dma_wait3A_213 = tpu.memref_squeeze %dma_wait3A_212 : memref<1x128x128xf32, #tpu.memory_space<vmem>> -> memref<128x128xf32, #tpu.memory_space<vmem>>
        %dma_wait3A_214 = arith.constant 0 : i32
        %dma_wait3A_215 = tpu.memref_slice %arg4[%dma_wait3A_209, %mul3A_2, %dma_wait3A_214] : memref<50x4096x128xf32, #tpu.memory_space<hbm>> -> memref<1x128x128xf32, #tpu.memory_space<hbm>>
        %dma_wait3A_216 = tpu.memref_squeeze %dma_wait3A_215 : memref<1x128x128xf32, #tpu.memory_space<hbm>> -> memref<128x128xf32, #tpu.memory_space<hbm>>
        %dma_wait3A_217 = arith.constant 0 : i32
        %dma_wait3A_218 = tpu.memref_slice %arg4[%dma_wait3A_209, %mul3A_2, %dma_wait3A_217] : memref<50x4096x128xf32, #tpu.memory_space<hbm>> -> memref<1x128x128xf32, #tpu.memory_space<hbm>>
        %dma_wait3A_219 = tpu.memref_squeeze %dma_wait3A_218 : memref<1x128x128xf32, #tpu.memory_space<hbm>> -> memref<128x128xf32, #tpu.memory_space<hbm>>
        %dma_wait3A_220 = arith.constant 0 : i32
        %dma_wait3A_221 = arith.constant 0 : i32
        %dma_wait3A_222 = tpu.memref_slice %arg6[%dma_wait3A, %dma_wait3A_220, %dma_wait3A_221] : memref<6x128x128xf32, #tpu.memory_space<vmem>> -> memref<1x128x128xf32, #tpu.memory_space<vmem>>
        %dma_wait3A_223 = tpu.memref_squeeze %dma_wait3A_222 : memref<1x128x128xf32, #tpu.memory_space<vmem>> -> memref<128x128xf32, #tpu.memory_space<vmem>>
        tpu.wait_dma2 semaphore(%arg17 : memref<!tpu.dma_semaphore, #tpu.memory_space<semaphore_mem>>) src(%dma_wait3A_223 : memref<128x128xf32, #tpu.memory_space<vmem>>) dst(%dma_wait3A_219 : memref<128x128xf32, #tpu.memory_space<hbm>>)
      } else {
      }
      %add3A_72 = arith.constant 4 : i32
      %add3A_73 = arith.addi %add3A_62, %add3A_72 : i32
      %lt3A_74 = arith.constant 50 : i32
      %lt3A_75 = arith.cmpi slt, %add3A_73, %lt3A_74 : i32
      %convert_element_type3A_76 = arith.extui %lt3A_75 : i1 to i32
      %cond3A_77 = arith.constant 0 : i32
      %cond3A_78 = arith.cmpi ne, %convert_element_type3A_76, %cond3A_77 : i32
      scf.if %cond3A_78 {
        %add3A_209 = arith.constant 4 : i32
        %add3A_210 = arith.addi %add3A_62, %add3A_209 : i32
        %dma_start3A_211 = arith.constant 4 : i32
        %dma_start3A_212 = arith.constant 0 : i32
        %dma_start3A_213 = arith.constant 0 : i32
        %dma_start3A_214 = tpu.memref_slice %arg6[%dma_start3A_211, %dma_start3A_212, %dma_start3A_213] : memref<6x128x128xf32, #tpu.memory_space<vmem>> -> memref<1x128x128xf32, #tpu.memory_space<vmem>>
        %dma_start3A_215 = tpu.memref_squeeze %dma_start3A_214 : memref<1x128x128xf32, #tpu.memory_space<vmem>> -> memref<128x128xf32, #tpu.memory_space<vmem>>
        %dma_start3A_216 = arith.constant 0 : i32
        %dma_start3A_217 = tpu.memref_slice %arg5[%add3A_210, %dma_start3A_216] : memref<50x128xi32, #tpu.memory_space<vmem>> -> memref<1x128xi32, #tpu.memory_space<vmem>>
        %dma_start3A_218 = tpu.memref_squeeze %dma_start3A_217 : memref<1x128xi32, #tpu.memory_space<vmem>> -> memref<128xi32, #tpu.memory_space<vmem>>
        %dma_start3A_219 = arith.constant 0 : i32
        %dma_start3A_220 = arith.constant 0 : i32
        %dma_start3A_221 = tpu.memref_slice %arg3[%dma_start3A_219, %dma_start3A_220] : memref<100000x128xf32, #tpu.memory_space<hbm>> -> memref<100000x128xf32, #tpu.memory_space<hbm>>
        tpu.enqueue_indirect_dma source(%dma_start3A_221 : memref<100000x128xf32, #tpu.memory_space<hbm>>) target(%dma_start3A_215 : memref<128x128xf32, #tpu.memory_space<vmem>>) offsets(%dma_start3A_218 : memref<128xi32, #tpu.memory_space<vmem>>) semaphore(%arg11 : memref<!tpu.dma_semaphore, #tpu.memory_space<semaphore_mem>>)
      } else {
      }
      %mul3A_79 = arith.constant 6 : i32
      %mul3A_80 = arith.muli %add3A_58, %mul3A_79 : i32
      %add3A_81 = arith.constant 1 : i32
      %add3A_82 = arith.addi %mul3A_80, %add3A_81 : i32
      %lt3A_83 = arith.constant 50 : i32
      %lt3A_84 = arith.cmpi slt, %add3A_82, %lt3A_83 : i32
      %convert_element_type3A_85 = arith.extui %lt3A_84 : i1 to i32
      %cond3A_86 = arith.constant 0 : i32
      %cond3A_87 = arith.cmpi ne, %convert_element_type3A_85, %cond3A_86 : i32
      scf.if %cond3A_87 {
        %dma_wait3A = arith.constant 0 : i32
        %dma_wait3A_209 = arith.constant 1 : i32
        %dma_wait3A_210 = arith.constant 0 : i32
        %dma_wait3A_211 = arith.constant 0 : i32
        %dma_wait3A_212 = tpu.memref_slice %arg6[%dma_wait3A_209, %dma_wait3A_210, %dma_wait3A_211] : memref<6x128x128xf32, #tpu.memory_space<vmem>> -> memref<1x128x128xf32, #tpu.memory_space<vmem>>
        %dma_wait3A_213 = tpu.memref_squeeze %dma_wait3A_212 : memref<1x128x128xf32, #tpu.memory_space<vmem>> -> memref<128x128xf32, #tpu.memory_space<vmem>>
        %dma_wait3A_214 = arith.constant 0 : i32
        %dma_wait3A_215 = tpu.memref_slice %arg5[%dma_wait3A, %dma_wait3A_214] : memref<50x128xi32, #tpu.memory_space<vmem>> -> memref<1x128xi32, #tpu.memory_space<vmem>>
        %dma_wait3A_216 = tpu.memref_squeeze %dma_wait3A_215 : memref<1x128xi32, #tpu.memory_space<vmem>> -> memref<128xi32, #tpu.memory_space<vmem>>
        %dma_wait3A_217 = arith.constant 0 : i32
        %dma_wait3A_218 = arith.constant 0 : i32
        %dma_wait3A_219 = tpu.memref_slice %arg3[%dma_wait3A_217, %dma_wait3A_218] : memref<100000x128xf32, #tpu.memory_space<hbm>> -> memref<100000x128xf32, #tpu.memory_space<hbm>>
        tpu.wait_indirect_dma semaphore(%arg8 : memref<!tpu.dma_semaphore, #tpu.memory_space<semaphore_mem>>) src(%dma_wait3A_219 : memref<100000x128xf32, #tpu.memory_space<hbm>>) dst(%dma_wait3A_213 : memref<128x128xf32, #tpu.memory_space<vmem>>)
        %dma_start3A_220 = arith.constant 1 : i32
        %dma_start3A_221 = arith.constant 0 : i32
        %dma_start3A_222 = arith.constant 0 : i32
        %dma_start3A_223 = tpu.memref_slice %arg6[%dma_start3A_220, %dma_start3A_221, %dma_start3A_222] : memref<6x128x128xf32, #tpu.memory_space<vmem>> -> memref<1x128x128xf32, #tpu.memory_space<vmem>>
        %dma_start3A_224 = tpu.memref_squeeze %dma_start3A_223 : memref<1x128x128xf32, #tpu.memory_space<vmem>> -> memref<128x128xf32, #tpu.memory_space<vmem>>
        %dma_start3A_225 = arith.constant 0 : i32
        %dma_start3A_226 = tpu.memref_slice %arg4[%add3A_82, %mul3A_2, %dma_start3A_225] : memref<50x4096x128xf32, #tpu.memory_space<hbm>> -> memref<1x128x128xf32, #tpu.memory_space<hbm>>
        %dma_start3A_227 = tpu.memref_squeeze %dma_start3A_226 : memref<1x128x128xf32, #tpu.memory_space<hbm>> -> memref<128x128xf32, #tpu.memory_space<hbm>>
        %dma_start3A_228 = arith.constant 0 : i32
        %dma_start3A_229 = tpu.memref_slice %arg4[%add3A_82, %mul3A_2, %dma_start3A_228] : memref<50x4096x128xf32, #tpu.memory_space<hbm>> -> memref<1x128x128xf32, #tpu.memory_space<hbm>>
        %dma_start3A_230 = tpu.memref_squeeze %dma_start3A_229 : memref<1x128x128xf32, #tpu.memory_space<hbm>> -> memref<128x128xf32, #tpu.memory_space<hbm>>
        %dma_start3A_231 = arith.constant 0 : i32
        %dma_start3A_232 = arith.constant 0 : i32
        %dma_start3A_233 = tpu.memref_slice %arg6[%dma_start3A_220, %dma_start3A_231, %dma_start3A_232] : memref<6x128x128xf32, #tpu.memory_space<vmem>> -> memref<1x128x128xf32, #tpu.memory_space<vmem>>
        %dma_start3A_234 = tpu.memref_squeeze %dma_start3A_233 : memref<1x128x128xf32, #tpu.memory_space<vmem>> -> memref<128x128xf32, #tpu.memory_space<vmem>>
        tpu.enqueue_dma source(%dma_start3A_234 : memref<128x128xf32, #tpu.memory_space<vmem>>) target(%dma_start3A_230 : memref<128x128xf32, #tpu.memory_space<hbm>>) target_semaphore(%arg14 : memref<!tpu.dma_semaphore, #tpu.memory_space<semaphore_mem>>)
      } else {
      }
      %ge3A_88 = arith.constant 2 : i32
      %ge3A_89 = arith.cmpi sge, %add3A_82, %ge3A_88 : i32
      %sub3A_90 = arith.constant 2 : i32
      %sub3A_91 = arith.subi %add3A_82, %sub3A_90 : i32
      %lt3A_92 = arith.constant 50 : i32
      %lt3A_93 = arith.cmpi slt, %sub3A_91, %lt3A_92 : i32
      %and3A_94 = arith.andi %ge3A_89, %lt3A_93 : i1
      %convert_element_type3A_95 = arith.extui %and3A_94 : i1 to i32
      %cond3A_96 = arith.constant 0 : i32
      %cond3A_97 = arith.cmpi ne, %convert_element_type3A_95, %cond3A_96 : i32
      scf.if %cond3A_97 {
        %dma_wait3A = arith.constant 5 : i32
        %dma_wait3A_209 = arith.constant 0 : i32
        %dma_wait3A_210 = arith.constant 0 : i32
        %dma_wait3A_211 = arith.constant 0 : i32
        %dma_wait3A_212 = tpu.memref_slice %arg6[%dma_wait3A, %dma_wait3A_210, %dma_wait3A_211] : memref<6x128x128xf32, #tpu.memory_space<vmem>> -> memref<1x128x128xf32, #tpu.memory_space<vmem>>
        %dma_wait3A_213 = tpu.memref_squeeze %dma_wait3A_212 : memref<1x128x128xf32, #tpu.memory_space<vmem>> -> memref<128x128xf32, #tpu.memory_space<vmem>>
        %dma_wait3A_214 = arith.constant 0 : i32
        %dma_wait3A_215 = tpu.memref_slice %arg4[%dma_wait3A_209, %mul3A_2, %dma_wait3A_214] : memref<50x4096x128xf32, #tpu.memory_space<hbm>> -> memref<1x128x128xf32, #tpu.memory_space<hbm>>
        %dma_wait3A_216 = tpu.memref_squeeze %dma_wait3A_215 : memref<1x128x128xf32, #tpu.memory_space<hbm>> -> memref<128x128xf32, #tpu.memory_space<hbm>>
        %dma_wait3A_217 = arith.constant 0 : i32
        %dma_wait3A_218 = tpu.memref_slice %arg4[%dma_wait3A_209, %mul3A_2, %dma_wait3A_217] : memref<50x4096x128xf32, #tpu.memory_space<hbm>> -> memref<1x128x128xf32, #tpu.memory_space<hbm>>
        %dma_wait3A_219 = tpu.memref_squeeze %dma_wait3A_218 : memref<1x128x128xf32, #tpu.memory_space<hbm>> -> memref<128x128xf32, #tpu.memory_space<hbm>>
        %dma_wait3A_220 = arith.constant 0 : i32
        %dma_wait3A_221 = arith.constant 0 : i32
        %dma_wait3A_222 = tpu.memref_slice %arg6[%dma_wait3A, %dma_wait3A_220, %dma_wait3A_221] : memref<6x128x128xf32, #tpu.memory_space<vmem>> -> memref<1x128x128xf32, #tpu.memory_space<vmem>>
        %dma_wait3A_223 = tpu.memref_squeeze %dma_wait3A_222 : memref<1x128x128xf32, #tpu.memory_space<vmem>> -> memref<128x128xf32, #tpu.memory_space<vmem>>
        tpu.wait_dma2 semaphore(%arg18 : memref<!tpu.dma_semaphore, #tpu.memory_space<semaphore_mem>>) src(%dma_wait3A_223 : memref<128x128xf32, #tpu.memory_space<vmem>>) dst(%dma_wait3A_219 : memref<128x128xf32, #tpu.memory_space<hbm>>)
      } else {
      }
      %add3A_98 = arith.constant 4 : i32
      %add3A_99 = arith.addi %add3A_82, %add3A_98 : i32
      %lt3A_100 = arith.constant 50 : i32
      %lt3A_101 = arith.cmpi slt, %add3A_99, %lt3A_100 : i32
      %convert_element_type3A_102 = arith.extui %lt3A_101 : i1 to i32
      %cond3A_103 = arith.constant 0 : i32
      %cond3A_104 = arith.cmpi ne, %convert_element_type3A_102, %cond3A_103 : i32
      scf.if %cond3A_104 {
        %add3A_209 = arith.constant 4 : i32
        %add3A_210 = arith.addi %add3A_82, %add3A_209 : i32
        %dma_start3A_211 = arith.constant 5 : i32
        %dma_start3A_212 = arith.constant 0 : i32
        %dma_start3A_213 = arith.constant 0 : i32
        %dma_start3A_214 = tpu.memref_slice %arg6[%dma_start3A_211, %dma_start3A_212, %dma_start3A_213] : memref<6x128x128xf32, #tpu.memory_space<vmem>> -> memref<1x128x128xf32, #tpu.memory_space<vmem>>
        %dma_start3A_215 = tpu.memref_squeeze %dma_start3A_214 : memref<1x128x128xf32, #tpu.memory_space<vmem>> -> memref<128x128xf32, #tpu.memory_space<vmem>>
        %dma_start3A_216 = arith.constant 0 : i32
        %dma_start3A_217 = tpu.memref_slice %arg5[%add3A_210, %dma_start3A_216] : memref<50x128xi32, #tpu.memory_space<vmem>> -> memref<1x128xi32, #tpu.memory_space<vmem>>
        %dma_start3A_218 = tpu.memref_squeeze %dma_start3A_217 : memref<1x128xi32, #tpu.memory_space<vmem>> -> memref<128xi32, #tpu.memory_space<vmem>>
        %dma_start3A_219 = arith.constant 0 : i32
        %dma_start3A_220 = arith.constant 0 : i32
        %dma_start3A_221 = tpu.memref_slice %arg3[%dma_start3A_219, %dma_start3A_220] : memref<100000x128xf32, #tpu.memory_space<hbm>> -> memref<100000x128xf32, #tpu.memory_space<hbm>>
        tpu.enqueue_indirect_dma source(%dma_start3A_221 : memref<100000x128xf32, #tpu.memory_space<hbm>>) target(%dma_start3A_215 : memref<128x128xf32, #tpu.memory_space<vmem>>) offsets(%dma_start3A_218 : memref<128xi32, #tpu.memory_space<vmem>>) semaphore(%arg12 : memref<!tpu.dma_semaphore, #tpu.memory_space<semaphore_mem>>)
      } else {
      }
      %mul3A_105 = arith.constant 6 : i32
      %mul3A_106 = arith.muli %add3A_58, %mul3A_105 : i32
      %add3A_107 = arith.constant 2 : i32
      %add3A_108 = arith.addi %mul3A_106, %add3A_107 : i32
      %lt3A_109 = arith.constant 50 : i32
      %lt3A_110 = arith.cmpi slt, %add3A_108, %lt3A_109 : i32
      %convert_element_type3A_111 = arith.extui %lt3A_110 : i1 to i32
      %cond3A_112 = arith.constant 0 : i32
      %cond3A_113 = arith.cmpi ne, %convert_element_type3A_111, %cond3A_112 : i32
      scf.if %cond3A_113 {
        %dma_wait3A = arith.constant 0 : i32
        %dma_wait3A_209 = arith.constant 2 : i32
        %dma_wait3A_210 = arith.constant 0 : i32
        %dma_wait3A_211 = arith.constant 0 : i32
        %dma_wait3A_212 = tpu.memref_slice %arg6[%dma_wait3A_209, %dma_wait3A_210, %dma_wait3A_211] : memref<6x128x128xf32, #tpu.memory_space<vmem>> -> memref<1x128x128xf32, #tpu.memory_space<vmem>>
        %dma_wait3A_213 = tpu.memref_squeeze %dma_wait3A_212 : memref<1x128x128xf32, #tpu.memory_space<vmem>> -> memref<128x128xf32, #tpu.memory_space<vmem>>
        %dma_wait3A_214 = arith.constant 0 : i32
        %dma_wait3A_215 = tpu.memref_slice %arg5[%dma_wait3A, %dma_wait3A_214] : memref<50x128xi32, #tpu.memory_space<vmem>> -> memref<1x128xi32, #tpu.memory_space<vmem>>
        %dma_wait3A_216 = tpu.memref_squeeze %dma_wait3A_215 : memref<1x128xi32, #tpu.memory_space<vmem>> -> memref<128xi32, #tpu.memory_space<vmem>>
        %dma_wait3A_217 = arith.constant 0 : i32
        %dma_wait3A_218 = arith.constant 0 : i32
        %dma_wait3A_219 = tpu.memref_slice %arg3[%dma_wait3A_217, %dma_wait3A_218] : memref<100000x128xf32, #tpu.memory_space<hbm>> -> memref<100000x128xf32, #tpu.memory_space<hbm>>
        tpu.wait_indirect_dma semaphore(%arg9 : memref<!tpu.dma_semaphore, #tpu.memory_space<semaphore_mem>>) src(%dma_wait3A_219 : memref<100000x128xf32, #tpu.memory_space<hbm>>) dst(%dma_wait3A_213 : memref<128x128xf32, #tpu.memory_space<vmem>>)
        %dma_start3A_220 = arith.constant 2 : i32
        %dma_start3A_221 = arith.constant 0 : i32
        %dma_start3A_222 = arith.constant 0 : i32
        %dma_start3A_223 = tpu.memref_slice %arg6[%dma_start3A_220, %dma_start3A_221, %dma_start3A_222] : memref<6x128x128xf32, #tpu.memory_space<vmem>> -> memref<1x128x128xf32, #tpu.memory_space<vmem>>
        %dma_start3A_224 = tpu.memref_squeeze %dma_start3A_223 : memref<1x128x128xf32, #tpu.memory_space<vmem>> -> memref<128x128xf32, #tpu.memory_space<vmem>>
        %dma_start3A_225 = arith.constant 0 : i32
        %dma_start3A_226 = tpu.memref_slice %arg4[%add3A_108, %mul3A_2, %dma_start3A_225] : memref<50x4096x128xf32, #tpu.memory_space<hbm>> -> memref<1x128x128xf32, #tpu.memory_space<hbm>>
        %dma_start3A_227 = tpu.memref_squeeze %dma_start3A_226 : memref<1x128x128xf32, #tpu.memory_space<hbm>> -> memref<128x128xf32, #tpu.memory_space<hbm>>
        %dma_start3A_228 = arith.constant 0 : i32
        %dma_start3A_229 = tpu.memref_slice %arg4[%add3A_108, %mul3A_2, %dma_start3A_228] : memref<50x4096x128xf32, #tpu.memory_space<hbm>> -> memref<1x128x128xf32, #tpu.memory_space<hbm>>
        %dma_start3A_230 = tpu.memref_squeeze %dma_start3A_229 : memref<1x128x128xf32, #tpu.memory_space<hbm>> -> memref<128x128xf32, #tpu.memory_space<hbm>>
        %dma_start3A_231 = arith.constant 0 : i32
        %dma_start3A_232 = arith.constant 0 : i32
        %dma_start3A_233 = tpu.memref_slice %arg6[%dma_start3A_220, %dma_start3A_231, %dma_start3A_232] : memref<6x128x128xf32, #tpu.memory_space<vmem>> -> memref<1x128x128xf32, #tpu.memory_space<vmem>>
        %dma_start3A_234 = tpu.memref_squeeze %dma_start3A_233 : memref<1x128x128xf32, #tpu.memory_space<vmem>> -> memref<128x128xf32, #tpu.memory_space<vmem>>
        tpu.enqueue_dma source(%dma_start3A_234 : memref<128x128xf32, #tpu.memory_space<vmem>>) target(%dma_start3A_230 : memref<128x128xf32, #tpu.memory_space<hbm>>) target_semaphore(%arg15 : memref<!tpu.dma_semaphore, #tpu.memory_space<semaphore_mem>>)
      } else {
      }
      %ge3A_114 = arith.constant 2 : i32
      %ge3A_115 = arith.cmpi sge, %add3A_108, %ge3A_114 : i32
      %sub3A_116 = arith.constant 2 : i32
      %sub3A_117 = arith.subi %add3A_108, %sub3A_116 : i32
      %lt3A_118 = arith.constant 50 : i32
      %lt3A_119 = arith.cmpi slt, %sub3A_117, %lt3A_118 : i32
      %and3A_120 = arith.andi %ge3A_115, %lt3A_119 : i1
      %convert_element_type3A_121 = arith.extui %and3A_120 : i1 to i32
      %cond3A_122 = arith.constant 0 : i32
      %cond3A_123 = arith.cmpi ne, %convert_element_type3A_121, %cond3A_122 : i32
      scf.if %cond3A_123 {
        %dma_wait3A = arith.constant 0 : i32
        %dma_wait3A_209 = arith.constant 0 : i32
        %dma_wait3A_210 = arith.constant 0 : i32
        %dma_wait3A_211 = arith.constant 0 : i32
        %dma_wait3A_212 = tpu.memref_slice %arg6[%dma_wait3A, %dma_wait3A_210, %dma_wait3A_211] : memref<6x128x128xf32, #tpu.memory_space<vmem>> -> memref<1x128x128xf32, #tpu.memory_space<vmem>>
        %dma_wait3A_213 = tpu.memref_squeeze %dma_wait3A_212 : memref<1x128x128xf32, #tpu.memory_space<vmem>> -> memref<128x128xf32, #tpu.memory_space<vmem>>
        %dma_wait3A_214 = arith.constant 0 : i32
        %dma_wait3A_215 = tpu.memref_slice %arg4[%dma_wait3A_209, %mul3A_2, %dma_wait3A_214] : memref<50x4096x128xf32, #tpu.memory_space<hbm>> -> memref<1x128x128xf32, #tpu.memory_space<hbm>>
        %dma_wait3A_216 = tpu.memref_squeeze %dma_wait3A_215 : memref<1x128x128xf32, #tpu.memory_space<hbm>> -> memref<128x128xf32, #tpu.memory_space<hbm>>
        %dma_wait3A_217 = arith.constant 0 : i32
        %dma_wait3A_218 = tpu.memref_slice %arg4[%dma_wait3A_209, %mul3A_2, %dma_wait3A_217] : memref<50x4096x128xf32, #tpu.memory_space<hbm>> -> memref<1x128x128xf32, #tpu.memory_space<hbm>>
        %dma_wait3A_219 = tpu.memref_squeeze %dma_wait3A_218 : memref<1x128x128xf32, #tpu.memory_space<hbm>> -> memref<128x128xf32, #tpu.memory_space<hbm>>
        %dma_wait3A_220 = arith.constant 0 : i32
        %dma_wait3A_221 = arith.constant 0 : i32
        %dma_wait3A_222 = tpu.memref_slice %arg6[%dma_wait3A, %dma_wait3A_220, %dma_wait3A_221] : memref<6x128x128xf32, #tpu.memory_space<vmem>> -> memref<1x128x128xf32, #tpu.memory_space<vmem>>
        %dma_wait3A_223 = tpu.memref_squeeze %dma_wait3A_222 : memref<1x128x128xf32, #tpu.memory_space<vmem>> -> memref<128x128xf32, #tpu.memory_space<vmem>>
        tpu.wait_dma2 semaphore(%arg13 : memref<!tpu.dma_semaphore, #tpu.memory_space<semaphore_mem>>) src(%dma_wait3A_223 : memref<128x128xf32, #tpu.memory_space<vmem>>) dst(%dma_wait3A_219 : memref<128x128xf32, #tpu.memory_space<hbm>>)
      } else {
      }
      %add3A_124 = arith.constant 4 : i32
      %add3A_125 = arith.addi %add3A_108, %add3A_124 : i32
      %lt3A_126 = arith.constant 50 : i32
      %lt3A_127 = arith.cmpi slt, %add3A_125, %lt3A_126 : i32
      %convert_element_type3A_128 = arith.extui %lt3A_127 : i1 to i32
      %cond3A_129 = arith.constant 0 : i32
      %cond3A_130 = arith.cmpi ne, %convert_element_type3A_128, %cond3A_129 : i32
      scf.if %cond3A_130 {
        %add3A_209 = arith.constant 4 : i32
        %add3A_210 = arith.addi %add3A_108, %add3A_209 : i32
        %dma_start3A_211 = arith.constant 0 : i32
        %dma_start3A_212 = arith.constant 0 : i32
        %dma_start3A_213 = arith.constant 0 : i32
        %dma_start3A_214 = tpu.memref_slice %arg6[%dma_start3A_211, %dma_start3A_212, %dma_start3A_213] : memref<6x128x128xf32, #tpu.memory_space<vmem>> -> memref<1x128x128xf32, #tpu.memory_space<vmem>>
        %dma_start3A_215 = tpu.memref_squeeze %dma_start3A_214 : memref<1x128x128xf32, #tpu.memory_space<vmem>> -> memref<128x128xf32, #tpu.memory_space<vmem>>
        %dma_start3A_216 = arith.constant 0 : i32
        %dma_start3A_217 = tpu.memref_slice %arg5[%add3A_210, %dma_start3A_216] : memref<50x128xi32, #tpu.memory_space<vmem>> -> memref<1x128xi32, #tpu.memory_space<vmem>>
        %dma_start3A_218 = tpu.memref_squeeze %dma_start3A_217 : memref<1x128xi32, #tpu.memory_space<vmem>> -> memref<128xi32, #tpu.memory_space<vmem>>
        %dma_start3A_219 = arith.constant 0 : i32
        %dma_start3A_220 = arith.constant 0 : i32
        %dma_start3A_221 = tpu.memref_slice %arg3[%dma_start3A_219, %dma_start3A_220] : memref<100000x128xf32, #tpu.memory_space<hbm>> -> memref<100000x128xf32, #tpu.memory_space<hbm>>
        tpu.enqueue_indirect_dma source(%dma_start3A_221 : memref<100000x128xf32, #tpu.memory_space<hbm>>) target(%dma_start3A_215 : memref<128x128xf32, #tpu.memory_space<vmem>>) offsets(%dma_start3A_218 : memref<128xi32, #tpu.memory_space<vmem>>) semaphore(%arg7 : memref<!tpu.dma_semaphore, #tpu.memory_space<semaphore_mem>>)
      } else {
      }
      %mul3A_131 = arith.constant 6 : i32
      %mul3A_132 = arith.muli %add3A_58, %mul3A_131 : i32
      %add3A_133 = arith.constant 3 : i32
      %add3A_134 = arith.addi %mul3A_132, %add3A_133 : i32
      %lt3A_135 = arith.constant 50 : i32
      %lt3A_136 = arith.cmpi slt, %add3A_134, %lt3A_135 : i32
      %convert_element_type3A_137 = arith.extui %lt3A_136 : i1 to i32
      %cond3A_138 = arith.constant 0 : i32
      %cond3A_139 = arith.cmpi ne, %convert_element_type3A_137, %cond3A_138 : i32
      scf.if %cond3A_139 {
        %dma_wait3A = arith.constant 0 : i32
        %dma_wait3A_209 = arith.constant 3 : i32
        %dma_wait3A_210 = arith.constant 0 : i32
        %dma_wait3A_211 = arith.constant 0 : i32
        %dma_wait3A_212 = tpu.memref_slice %arg6[%dma_wait3A_209, %dma_wait3A_210, %dma_wait3A_211] : memref<6x128x128xf32, #tpu.memory_space<vmem>> -> memref<1x128x128xf32, #tpu.memory_space<vmem>>
        %dma_wait3A_213 = tpu.memref_squeeze %dma_wait3A_212 : memref<1x128x128xf32, #tpu.memory_space<vmem>> -> memref<128x128xf32, #tpu.memory_space<vmem>>
        %dma_wait3A_214 = arith.constant 0 : i32
        %dma_wait3A_215 = tpu.memref_slice %arg5[%dma_wait3A, %dma_wait3A_214] : memref<50x128xi32, #tpu.memory_space<vmem>> -> memref<1x128xi32, #tpu.memory_space<vmem>>
        %dma_wait3A_216 = tpu.memref_squeeze %dma_wait3A_215 : memref<1x128xi32, #tpu.memory_space<vmem>> -> memref<128xi32, #tpu.memory_space<vmem>>
        %dma_wait3A_217 = arith.constant 0 : i32
        %dma_wait3A_218 = arith.constant 0 : i32
        %dma_wait3A_219 = tpu.memref_slice %arg3[%dma_wait3A_217, %dma_wait3A_218] : memref<100000x128xf32, #tpu.memory_space<hbm>> -> memref<100000x128xf32, #tpu.memory_space<hbm>>
        tpu.wait_indirect_dma semaphore(%arg10 : memref<!tpu.dma_semaphore, #tpu.memory_space<semaphore_mem>>) src(%dma_wait3A_219 : memref<100000x128xf32, #tpu.memory_space<hbm>>) dst(%dma_wait3A_213 : memref<128x128xf32, #tpu.memory_space<vmem>>)
        %dma_start3A_220 = arith.constant 3 : i32
        %dma_start3A_221 = arith.constant 0 : i32
        %dma_start3A_222 = arith.constant 0 : i32
        %dma_start3A_223 = tpu.memref_slice %arg6[%dma_start3A_220, %dma_start3A_221, %dma_start3A_222] : memref<6x128x128xf32, #tpu.memory_space<vmem>> -> memref<1x128x128xf32, #tpu.memory_space<vmem>>
        %dma_start3A_224 = tpu.memref_squeeze %dma_start3A_223 : memref<1x128x128xf32, #tpu.memory_space<vmem>> -> memref<128x128xf32, #tpu.memory_space<vmem>>
        %dma_start3A_225 = arith.constant 0 : i32
        %dma_start3A_226 = tpu.memref_slice %arg4[%add3A_134, %mul3A_2, %dma_start3A_225] : memref<50x4096x128xf32, #tpu.memory_space<hbm>> -> memref<1x128x128xf32, #tpu.memory_space<hbm>>
        %dma_start3A_227 = tpu.memref_squeeze %dma_start3A_226 : memref<1x128x128xf32, #tpu.memory_space<hbm>> -> memref<128x128xf32, #tpu.memory_space<hbm>>
        %dma_start3A_228 = arith.constant 0 : i32
        %dma_start3A_229 = tpu.memref_slice %arg4[%add3A_134, %mul3A_2, %dma_start3A_228] : memref<50x4096x128xf32, #tpu.memory_space<hbm>> -> memref<1x128x128xf32, #tpu.memory_space<hbm>>
        %dma_start3A_230 = tpu.memref_squeeze %dma_start3A_229 : memref<1x128x128xf32, #tpu.memory_space<hbm>> -> memref<128x128xf32, #tpu.memory_space<hbm>>
        %dma_start3A_231 = arith.constant 0 : i32
        %dma_start3A_232 = arith.constant 0 : i32
        %dma_start3A_233 = tpu.memref_slice %arg6[%dma_start3A_220, %dma_start3A_231, %dma_start3A_232] : memref<6x128x128xf32, #tpu.memory_space<vmem>> -> memref<1x128x128xf32, #tpu.memory_space<vmem>>
        %dma_start3A_234 = tpu.memref_squeeze %dma_start3A_233 : memref<1x128x128xf32, #tpu.memory_space<vmem>> -> memref<128x128xf32, #tpu.memory_space<vmem>>
        tpu.enqueue_dma source(%dma_start3A_234 : memref<128x128xf32, #tpu.memory_space<vmem>>) target(%dma_start3A_230 : memref<128x128xf32, #tpu.memory_space<hbm>>) target_semaphore(%arg16 : memref<!tpu.dma_semaphore, #tpu.memory_space<semaphore_mem>>)
      } else {
      }
      %ge3A_140 = arith.constant 2 : i32
      %ge3A_141 = arith.cmpi sge, %add3A_134, %ge3A_140 : i32
      %sub3A_142 = arith.constant 2 : i32
      %sub3A_143 = arith.subi %add3A_134, %sub3A_142 : i32
      %lt3A_144 = arith.constant 50 : i32
      %lt3A_145 = arith.cmpi slt, %sub3A_143, %lt3A_144 : i32
      %and3A_146 = arith.andi %ge3A_141, %lt3A_145 : i1
      %convert_element_type3A_147 = arith.extui %and3A_146 : i1 to i32
      %cond3A_148 = arith.constant 0 : i32
      %cond3A_149 = arith.cmpi ne, %convert_element_type3A_147, %cond3A_148 : i32
      scf.if %cond3A_149 {
        %dma_wait3A = arith.constant 1 : i32
        %dma_wait3A_209 = arith.constant 0 : i32
        %dma_wait3A_210 = arith.constant 0 : i32
        %dma_wait3A_211 = arith.constant 0 : i32
        %dma_wait3A_212 = tpu.memref_slice %arg6[%dma_wait3A, %dma_wait3A_210, %dma_wait3A_211] : memref<6x128x128xf32, #tpu.memory_space<vmem>> -> memref<1x128x128xf32, #tpu.memory_space<vmem>>
        %dma_wait3A_213 = tpu.memref_squeeze %dma_wait3A_212 : memref<1x128x128xf32, #tpu.memory_space<vmem>> -> memref<128x128xf32, #tpu.memory_space<vmem>>
        %dma_wait3A_214 = arith.constant 0 : i32
        %dma_wait3A_215 = tpu.memref_slice %arg4[%dma_wait3A_209, %mul3A_2, %dma_wait3A_214] : memref<50x4096x128xf32, #tpu.memory_space<hbm>> -> memref<1x128x128xf32, #tpu.memory_space<hbm>>
        %dma_wait3A_216 = tpu.memref_squeeze %dma_wait3A_215 : memref<1x128x128xf32, #tpu.memory_space<hbm>> -> memref<128x128xf32, #tpu.memory_space<hbm>>
        %dma_wait3A_217 = arith.constant 0 : i32
        %dma_wait3A_218 = tpu.memref_slice %arg4[%dma_wait3A_209, %mul3A_2, %dma_wait3A_217] : memref<50x4096x128xf32, #tpu.memory_space<hbm>> -> memref<1x128x128xf32, #tpu.memory_space<hbm>>
        %dma_wait3A_219 = tpu.memref_squeeze %dma_wait3A_218 : memref<1x128x128xf32, #tpu.memory_space<hbm>> -> memref<128x128xf32, #tpu.memory_space<hbm>>
        %dma_wait3A_220 = arith.constant 0 : i32
        %dma_wait3A_221 = arith.constant 0 : i32
        %dma_wait3A_222 = tpu.memref_slice %arg6[%dma_wait3A, %dma_wait3A_220, %dma_wait3A_221] : memref<6x128x128xf32, #tpu.memory_space<vmem>> -> memref<1x128x128xf32, #tpu.memory_space<vmem>>
        %dma_wait3A_223 = tpu.memref_squeeze %dma_wait3A_222 : memref<1x128x128xf32, #tpu.memory_space<vmem>> -> memref<128x128xf32, #tpu.memory_space<vmem>>
        tpu.wait_dma2 semaphore(%arg14 : memref<!tpu.dma_semaphore, #tpu.memory_space<semaphore_mem>>) src(%dma_wait3A_223 : memref<128x128xf32, #tpu.memory_space<vmem>>) dst(%dma_wait3A_219 : memref<128x128xf32, #tpu.memory_space<hbm>>)
      } else {
      }
      %add3A_150 = arith.constant 4 : i32
      %add3A_151 = arith.addi %add3A_134, %add3A_150 : i32
      %lt3A_152 = arith.constant 50 : i32
      %lt3A_153 = arith.cmpi slt, %add3A_151, %lt3A_152 : i32
      %convert_element_type3A_154 = arith.extui %lt3A_153 : i1 to i32
      %cond3A_155 = arith.constant 0 : i32
      %cond3A_156 = arith.cmpi ne, %convert_element_type3A_154, %cond3A_155 : i32
      scf.if %cond3A_156 {
        %add3A_209 = arith.constant 4 : i32
        %add3A_210 = arith.addi %add3A_134, %add3A_209 : i32
        %dma_start3A_211 = arith.constant 1 : i32
        %dma_start3A_212 = arith.constant 0 : i32
        %dma_start3A_213 = arith.constant 0 : i32
        %dma_start3A_214 = tpu.memref_slice %arg6[%dma_start3A_211, %dma_start3A_212, %dma_start3A_213] : memref<6x128x128xf32, #tpu.memory_space<vmem>> -> memref<1x128x128xf32, #tpu.memory_space<vmem>>
        %dma_start3A_215 = tpu.memref_squeeze %dma_start3A_214 : memref<1x128x128xf32, #tpu.memory_space<vmem>> -> memref<128x128xf32, #tpu.memory_space<vmem>>
        %dma_start3A_216 = arith.constant 0 : i32
        %dma_start3A_217 = tpu.memref_slice %arg5[%add3A_210, %dma_start3A_216] : memref<50x128xi32, #tpu.memory_space<vmem>> -> memref<1x128xi32, #tpu.memory_space<vmem>>
        %dma_start3A_218 = tpu.memref_squeeze %dma_start3A_217 : memref<1x128xi32, #tpu.memory_space<vmem>> -> memref<128xi32, #tpu.memory_space<vmem>>
        %dma_start3A_219 = arith.constant 0 : i32
        %dma_start3A_220 = arith.constant 0 : i32
        %dma_start3A_221 = tpu.memref_slice %arg3[%dma_start3A_219, %dma_start3A_220] : memref<100000x128xf32, #tpu.memory_space<hbm>> -> memref<100000x128xf32, #tpu.memory_space<hbm>>
        tpu.enqueue_indirect_dma source(%dma_start3A_221 : memref<100000x128xf32, #tpu.memory_space<hbm>>) target(%dma_start3A_215 : memref<128x128xf32, #tpu.memory_space<vmem>>) offsets(%dma_start3A_218 : memref<128xi32, #tpu.memory_space<vmem>>) semaphore(%arg8 : memref<!tpu.dma_semaphore, #tpu.memory_space<semaphore_mem>>)
      } else {
      }
      %mul3A_157 = arith.constant 6 : i32
      %mul3A_158 = arith.muli %add3A_58, %mul3A_157 : i32
      %add3A_159 = arith.constant 4 : i32
      %add3A_160 = arith.addi %mul3A_158, %add3A_159 : i32
      %lt3A_161 = arith.constant 50 : i32
      %lt3A_162 = arith.cmpi slt, %add3A_160, %lt3A_161 : i32
      %convert_element_type3A_163 = arith.extui %lt3A_162 : i1 to i32
      %cond3A_164 = arith.constant 0 : i32
      %cond3A_165 = arith.cmpi ne, %convert_element_type3A_163, %cond3A_164 : i32
      scf.if %cond3A_165 {
        %dma_wait3A = arith.constant 0 : i32
        %dma_wait3A_209 = arith.constant 4 : i32
        %dma_wait3A_210 = arith.constant 0 : i32
        %dma_wait3A_211 = arith.constant 0 : i32
        %dma_wait3A_212 = tpu.memref_slice %arg6[%dma_wait3A_209, %dma_wait3A_210, %dma_wait3A_211] : memref<6x128x128xf32, #tpu.memory_space<vmem>> -> memref<1x128x128xf32, #tpu.memory_space<vmem>>
        %dma_wait3A_213 = tpu.memref_squeeze %dma_wait3A_212 : memref<1x128x128xf32, #tpu.memory_space<vmem>> -> memref<128x128xf32, #tpu.memory_space<vmem>>
        %dma_wait3A_214 = arith.constant 0 : i32
        %dma_wait3A_215 = tpu.memref_slice %arg5[%dma_wait3A, %dma_wait3A_214] : memref<50x128xi32, #tpu.memory_space<vmem>> -> memref<1x128xi32, #tpu.memory_space<vmem>>
        %dma_wait3A_216 = tpu.memref_squeeze %dma_wait3A_215 : memref<1x128xi32, #tpu.memory_space<vmem>> -> memref<128xi32, #tpu.memory_space<vmem>>
        %dma_wait3A_217 = arith.constant 0 : i32
        %dma_wait3A_218 = arith.constant 0 : i32
        %dma_wait3A_219 = tpu.memref_slice %arg3[%dma_wait3A_217, %dma_wait3A_218] : memref<100000x128xf32, #tpu.memory_space<hbm>> -> memref<100000x128xf32, #tpu.memory_space<hbm>>
        tpu.wait_indirect_dma semaphore(%arg11 : memref<!tpu.dma_semaphore, #tpu.memory_space<semaphore_mem>>) src(%dma_wait3A_219 : memref<100000x128xf32, #tpu.memory_space<hbm>>) dst(%dma_wait3A_213 : memref<128x128xf32, #tpu.memory_space<vmem>>)
        %dma_start3A_220 = arith.constant 4 : i32
        %dma_start3A_221 = arith.constant 0 : i32
        %dma_start3A_222 = arith.constant 0 : i32
        %dma_start3A_223 = tpu.memref_slice %arg6[%dma_start3A_220, %dma_start3A_221, %dma_start3A_222] : memref<6x128x128xf32, #tpu.memory_space<vmem>> -> memref<1x128x128xf32, #tpu.memory_space<vmem>>
        %dma_start3A_224 = tpu.memref_squeeze %dma_start3A_223 : memref<1x128x128xf32, #tpu.memory_space<vmem>> -> memref<128x128xf32, #tpu.memory_space<vmem>>
        %dma_start3A_225 = arith.constant 0 : i32
        %dma_start3A_226 = tpu.memref_slice %arg4[%add3A_160, %mul3A_2, %dma_start3A_225] : memref<50x4096x128xf32, #tpu.memory_space<hbm>> -> memref<1x128x128xf32, #tpu.memory_space<hbm>>
        %dma_start3A_227 = tpu.memref_squeeze %dma_start3A_226 : memref<1x128x128xf32, #tpu.memory_space<hbm>> -> memref<128x128xf32, #tpu.memory_space<hbm>>
        %dma_start3A_228 = arith.constant 0 : i32
        %dma_start3A_229 = tpu.memref_slice %arg4[%add3A_160, %mul3A_2, %dma_start3A_228] : memref<50x4096x128xf32, #tpu.memory_space<hbm>> -> memref<1x128x128xf32, #tpu.memory_space<hbm>>
        %dma_start3A_230 = tpu.memref_squeeze %dma_start3A_229 : memref<1x128x128xf32, #tpu.memory_space<hbm>> -> memref<128x128xf32, #tpu.memory_space<hbm>>
        %dma_start3A_231 = arith.constant 0 : i32
        %dma_start3A_232 = arith.constant 0 : i32
        %dma_start3A_233 = tpu.memref_slice %arg6[%dma_start3A_220, %dma_start3A_231, %dma_start3A_232] : memref<6x128x128xf32, #tpu.memory_space<vmem>> -> memref<1x128x128xf32, #tpu.memory_space<vmem>>
        %dma_start3A_234 = tpu.memref_squeeze %dma_start3A_233 : memref<1x128x128xf32, #tpu.memory_space<vmem>> -> memref<128x128xf32, #tpu.memory_space<vmem>>
        tpu.enqueue_dma source(%dma_start3A_234 : memref<128x128xf32, #tpu.memory_space<vmem>>) target(%dma_start3A_230 : memref<128x128xf32, #tpu.memory_space<hbm>>) target_semaphore(%arg17 : memref<!tpu.dma_semaphore, #tpu.memory_space<semaphore_mem>>)
      } else {
      }
      %ge3A_166 = arith.constant 2 : i32
      %ge3A_167 = arith.cmpi sge, %add3A_160, %ge3A_166 : i32
      %sub3A_168 = arith.constant 2 : i32
      %sub3A_169 = arith.subi %add3A_160, %sub3A_168 : i32
      %lt3A_170 = arith.constant 50 : i32
      %lt3A_171 = arith.cmpi slt, %sub3A_169, %lt3A_170 : i32
      %and3A_172 = arith.andi %ge3A_167, %lt3A_171 : i1
      %convert_element_type3A_173 = arith.extui %and3A_172 : i1 to i32
      %cond3A_174 = arith.constant 0 : i32
      %cond3A_175 = arith.cmpi ne, %convert_element_type3A_173, %cond3A_174 : i32
      scf.if %cond3A_175 {
        %dma_wait3A = arith.constant 2 : i32
        %dma_wait3A_209 = arith.constant 0 : i32
        %dma_wait3A_210 = arith.constant 0 : i32
        %dma_wait3A_211 = arith.constant 0 : i32
        %dma_wait3A_212 = tpu.memref_slice %arg6[%dma_wait3A, %dma_wait3A_210, %dma_wait3A_211] : memref<6x128x128xf32, #tpu.memory_space<vmem>> -> memref<1x128x128xf32, #tpu.memory_space<vmem>>
        %dma_wait3A_213 = tpu.memref_squeeze %dma_wait3A_212 : memref<1x128x128xf32, #tpu.memory_space<vmem>> -> memref<128x128xf32, #tpu.memory_space<vmem>>
        %dma_wait3A_214 = arith.constant 0 : i32
        %dma_wait3A_215 = tpu.memref_slice %arg4[%dma_wait3A_209, %mul3A_2, %dma_wait3A_214] : memref<50x4096x128xf32, #tpu.memory_space<hbm>> -> memref<1x128x128xf32, #tpu.memory_space<hbm>>
        %dma_wait3A_216 = tpu.memref_squeeze %dma_wait3A_215 : memref<1x128x128xf32, #tpu.memory_space<hbm>> -> memref<128x128xf32, #tpu.memory_space<hbm>>
        %dma_wait3A_217 = arith.constant 0 : i32
        %dma_wait3A_218 = tpu.memref_slice %arg4[%dma_wait3A_209, %mul3A_2, %dma_wait3A_217] : memref<50x4096x128xf32, #tpu.memory_space<hbm>> -> memref<1x128x128xf32, #tpu.memory_space<hbm>>
        %dma_wait3A_219 = tpu.memref_squeeze %dma_wait3A_218 : memref<1x128x128xf32, #tpu.memory_space<hbm>> -> memref<128x128xf32, #tpu.memory_space<hbm>>
        %dma_wait3A_220 = arith.constant 0 : i32
        %dma_wait3A_221 = arith.constant 0 : i32
        %dma_wait3A_222 = tpu.memref_slice %arg6[%dma_wait3A, %dma_wait3A_220, %dma_wait3A_221] : memref<6x128x128xf32, #tpu.memory_space<vmem>> -> memref<1x128x128xf32, #tpu.memory_space<vmem>>
        %dma_wait3A_223 = tpu.memref_squeeze %dma_wait3A_222 : memref<1x128x128xf32, #tpu.memory_space<vmem>> -> memref<128x128xf32, #tpu.memory_space<vmem>>
        tpu.wait_dma2 semaphore(%arg15 : memref<!tpu.dma_semaphore, #tpu.memory_space<semaphore_mem>>) src(%dma_wait3A_223 : memref<128x128xf32, #tpu.memory_space<vmem>>) dst(%dma_wait3A_219 : memref<128x128xf32, #tpu.memory_space<hbm>>)
      } else {
      }
      %add3A_176 = arith.constant 4 : i32
      %add3A_177 = arith.addi %add3A_160, %add3A_176 : i32
      %lt3A_178 = arith.constant 50 : i32
      %lt3A_179 = arith.cmpi slt, %add3A_177, %lt3A_178 : i32
      %convert_element_type3A_180 = arith.extui %lt3A_179 : i1 to i32
      %cond3A_181 = arith.constant 0 : i32
      %cond3A_182 = arith.cmpi ne, %convert_element_type3A_180, %cond3A_181 : i32
      scf.if %cond3A_182 {
        %add3A_209 = arith.constant 4 : i32
        %add3A_210 = arith.addi %add3A_160, %add3A_209 : i32
        %dma_start3A_211 = arith.constant 2 : i32
        %dma_start3A_212 = arith.constant 0 : i32
        %dma_start3A_213 = arith.constant 0 : i32
        %dma_start3A_214 = tpu.memref_slice %arg6[%dma_start3A_211, %dma_start3A_212, %dma_start3A_213] : memref<6x128x128xf32, #tpu.memory_space<vmem>> -> memref<1x128x128xf32, #tpu.memory_space<vmem>>
        %dma_start3A_215 = tpu.memref_squeeze %dma_start3A_214 : memref<1x128x128xf32, #tpu.memory_space<vmem>> -> memref<128x128xf32, #tpu.memory_space<vmem>>
        %dma_start3A_216 = arith.constant 0 : i32
        %dma_start3A_217 = tpu.memref_slice %arg5[%add3A_210, %dma_start3A_216] : memref<50x128xi32, #tpu.memory_space<vmem>> -> memref<1x128xi32, #tpu.memory_space<vmem>>
        %dma_start3A_218 = tpu.memref_squeeze %dma_start3A_217 : memref<1x128xi32, #tpu.memory_space<vmem>> -> memref<128xi32, #tpu.memory_space<vmem>>
        %dma_start3A_219 = arith.constant 0 : i32
        %dma_start3A_220 = arith.constant 0 : i32
        %dma_start3A_221 = tpu.memref_slice %arg3[%dma_start3A_219, %dma_start3A_220] : memref<100000x128xf32, #tpu.memory_space<hbm>> -> memref<100000x128xf32, #tpu.memory_space<hbm>>
        tpu.enqueue_indirect_dma source(%dma_start3A_221 : memref<100000x128xf32, #tpu.memory_space<hbm>>) target(%dma_start3A_215 : memref<128x128xf32, #tpu.memory_space<vmem>>) offsets(%dma_start3A_218 : memref<128xi32, #tpu.memory_space<vmem>>) semaphore(%arg9 : memref<!tpu.dma_semaphore, #tpu.memory_space<semaphore_mem>>)
      } else {
      }
      %mul3A_183 = arith.constant 6 : i32
      %mul3A_184 = arith.muli %add3A_58, %mul3A_183 : i32
      %add3A_185 = arith.constant 5 : i32
      %add3A_186 = arith.addi %mul3A_184, %add3A_185 : i32
      %lt3A_187 = arith.constant 50 : i32
      %lt3A_188 = arith.cmpi slt, %add3A_186, %lt3A_187 : i32
      %convert_element_type3A_189 = arith.extui %lt3A_188 : i1 to i32
      %cond3A_190 = arith.constant 0 : i32
      %cond3A_191 = arith.cmpi ne, %convert_element_type3A_189, %cond3A_190 : i32
      scf.if %cond3A_191 {
        %dma_wait3A = arith.constant 0 : i32
        %dma_wait3A_209 = arith.constant 5 : i32
        %dma_wait3A_210 = arith.constant 0 : i32
        %dma_wait3A_211 = arith.constant 0 : i32
        %dma_wait3A_212 = tpu.memref_slice %arg6[%dma_wait3A_209, %dma_wait3A_210, %dma_wait3A_211] : memref<6x128x128xf32, #tpu.memory_space<vmem>> -> memref<1x128x128xf32, #tpu.memory_space<vmem>>
        %dma_wait3A_213 = tpu.memref_squeeze %dma_wait3A_212 : memref<1x128x128xf32, #tpu.memory_space<vmem>> -> memref<128x128xf32, #tpu.memory_space<vmem>>
        %dma_wait3A_214 = arith.constant 0 : i32
        %dma_wait3A_215 = tpu.memref_slice %arg5[%dma_wait3A, %dma_wait3A_214] : memref<50x128xi32, #tpu.memory_space<vmem>> -> memref<1x128xi32, #tpu.memory_space<vmem>>
        %dma_wait3A_216 = tpu.memref_squeeze %dma_wait3A_215 : memref<1x128xi32, #tpu.memory_space<vmem>> -> memref<128xi32, #tpu.memory_space<vmem>>
        %dma_wait3A_217 = arith.constant 0 : i32
        %dma_wait3A_218 = arith.constant 0 : i32
        %dma_wait3A_219 = tpu.memref_slice %arg3[%dma_wait3A_217, %dma_wait3A_218] : memref<100000x128xf32, #tpu.memory_space<hbm>> -> memref<100000x128xf32, #tpu.memory_space<hbm>>
        tpu.wait_indirect_dma semaphore(%arg12 : memref<!tpu.dma_semaphore, #tpu.memory_space<semaphore_mem>>) src(%dma_wait3A_219 : memref<100000x128xf32, #tpu.memory_space<hbm>>) dst(%dma_wait3A_213 : memref<128x128xf32, #tpu.memory_space<vmem>>)
        %dma_start3A_220 = arith.constant 5 : i32
        %dma_start3A_221 = arith.constant 0 : i32
        %dma_start3A_222 = arith.constant 0 : i32
        %dma_start3A_223 = tpu.memref_slice %arg6[%dma_start3A_220, %dma_start3A_221, %dma_start3A_222] : memref<6x128x128xf32, #tpu.memory_space<vmem>> -> memref<1x128x128xf32, #tpu.memory_space<vmem>>
        %dma_start3A_224 = tpu.memref_squeeze %dma_start3A_223 : memref<1x128x128xf32, #tpu.memory_space<vmem>> -> memref<128x128xf32, #tpu.memory_space<vmem>>
        %dma_start3A_225 = arith.constant 0 : i32
        %dma_start3A_226 = tpu.memref_slice %arg4[%add3A_186, %mul3A_2, %dma_start3A_225] : memref<50x4096x128xf32, #tpu.memory_space<hbm>> -> memref<1x128x128xf32, #tpu.memory_space<hbm>>
        %dma_start3A_227 = tpu.memref_squeeze %dma_start3A_226 : memref<1x128x128xf32, #tpu.memory_space<hbm>> -> memref<128x128xf32, #tpu.memory_space<hbm>>
        %dma_start3A_228 = arith.constant 0 : i32
        %dma_start3A_229 = tpu.memref_slice %arg4[%add3A_186, %mul3A_2, %dma_start3A_228] : memref<50x4096x128xf32, #tpu.memory_space<hbm>> -> memref<1x128x128xf32, #tpu.memory_space<hbm>>
        %dma_start3A_230 = tpu.memref_squeeze %dma_start3A_229 : memref<1x128x128xf32, #tpu.memory_space<hbm>> -> memref<128x128xf32, #tpu.memory_space<hbm>>
        %dma_start3A_231 = arith.constant 0 : i32
        %dma_start3A_232 = arith.constant 0 : i32
        %dma_start3A_233 = tpu.memref_slice %arg6[%dma_start3A_220, %dma_start3A_231, %dma_start3A_232] : memref<6x128x128xf32, #tpu.memory_space<vmem>> -> memref<1x128x128xf32, #tpu.memory_space<vmem>>
        %dma_start3A_234 = tpu.memref_squeeze %dma_start3A_233 : memref<1x128x128xf32, #tpu.memory_space<vmem>> -> memref<128x128xf32, #tpu.memory_space<vmem>>
        tpu.enqueue_dma source(%dma_start3A_234 : memref<128x128xf32, #tpu.memory_space<vmem>>) target(%dma_start3A_230 : memref<128x128xf32, #tpu.memory_space<hbm>>) target_semaphore(%arg18 : memref<!tpu.dma_semaphore, #tpu.memory_space<semaphore_mem>>)
      } else {
      }
      %ge3A_192 = arith.constant 2 : i32
      %ge3A_193 = arith.cmpi sge, %add3A_186, %ge3A_192 : i32
      %sub3A_194 = arith.constant 2 : i32
      %sub3A_195 = arith.subi %add3A_186, %sub3A_194 : i32
      %lt3A_196 = arith.constant 50 : i32
      %lt3A_197 = arith.cmpi slt, %sub3A_195, %lt3A_196 : i32
      %and3A_198 = arith.andi %ge3A_193, %lt3A_197 : i1
      %convert_element_type3A_199 = arith.extui %and3A_198 : i1 to i32
      %cond3A_200 = arith.constant 0 : i32
      %cond3A_201 = arith.cmpi ne, %convert_element_type3A_199, %cond3A_200 : i32
      scf.if %cond3A_201 {
        %dma_wait3A = arith.constant 3 : i32
        %dma_wait3A_209 = arith.constant 0 : i32
        %dma_wait3A_210 = arith.constant 0 : i32
        %dma_wait3A_211 = arith.constant 0 : i32
        %dma_wait3A_212 = tpu.memref_slice %arg6[%dma_wait3A, %dma_wait3A_210, %dma_wait3A_211] : memref<6x128x128xf32, #tpu.memory_space<vmem>> -> memref<1x128x128xf32, #tpu.memory_space<vmem>>
        %dma_wait3A_213 = tpu.memref_squeeze %dma_wait3A_212 : memref<1x128x128xf32, #tpu.memory_space<vmem>> -> memref<128x128xf32, #tpu.memory_space<vmem>>
        %dma_wait3A_214 = arith.constant 0 : i32
        %dma_wait3A_215 = tpu.memref_slice %arg4[%dma_wait3A_209, %mul3A_2, %dma_wait3A_214] : memref<50x4096x128xf32, #tpu.memory_space<hbm>> -> memref<1x128x128xf32, #tpu.memory_space<hbm>>
        %dma_wait3A_216 = tpu.memref_squeeze %dma_wait3A_215 : memref<1x128x128xf32, #tpu.memory_space<hbm>> -> memref<128x128xf32, #tpu.memory_space<hbm>>
        %dma_wait3A_217 = arith.constant 0 : i32
        %dma_wait3A_218 = tpu.memref_slice %arg4[%dma_wait3A_209, %mul3A_2, %dma_wait3A_217] : memref<50x4096x128xf32, #tpu.memory_space<hbm>> -> memref<1x128x128xf32, #tpu.memory_space<hbm>>
        %dma_wait3A_219 = tpu.memref_squeeze %dma_wait3A_218 : memref<1x128x128xf32, #tpu.memory_space<hbm>> -> memref<128x128xf32, #tpu.memory_space<hbm>>
        %dma_wait3A_220 = arith.constant 0 : i32
        %dma_wait3A_221 = arith.constant 0 : i32
        %dma_wait3A_222 = tpu.memref_slice %arg6[%dma_wait3A, %dma_wait3A_220, %dma_wait3A_221] : memref<6x128x128xf32, #tpu.memory_space<vmem>> -> memref<1x128x128xf32, #tpu.memory_space<vmem>>
        %dma_wait3A_223 = tpu.memref_squeeze %dma_wait3A_222 : memref<1x128x128xf32, #tpu.memory_space<vmem>> -> memref<128x128xf32, #tpu.memory_space<vmem>>
        tpu.wait_dma2 semaphore(%arg16 : memref<!tpu.dma_semaphore, #tpu.memory_space<semaphore_mem>>) src(%dma_wait3A_223 : memref<128x128xf32, #tpu.memory_space<vmem>>) dst(%dma_wait3A_219 : memref<128x128xf32, #tpu.memory_space<hbm>>)
      } else {
      }
      %add3A_202 = arith.constant 4 : i32
      %add3A_203 = arith.addi %add3A_186, %add3A_202 : i32
      %lt3A_204 = arith.constant 50 : i32
      %lt3A_205 = arith.cmpi slt, %add3A_203, %lt3A_204 : i32
      %convert_element_type3A_206 = arith.extui %lt3A_205 : i1 to i32
      %cond3A_207 = arith.constant 0 : i32
      %cond3A_208 = arith.cmpi ne, %convert_element_type3A_206, %cond3A_207 : i32
      scf.if %cond3A_208 {
        %add3A_209 = arith.constant 4 : i32
        %add3A_210 = arith.addi %add3A_186, %add3A_209 : i32
        %dma_start3A_211 = arith.constant 3 : i32
        %dma_start3A_212 = arith.constant 0 : i32
        %dma_start3A_213 = arith.constant 0 : i32
        %dma_start3A_214 = tpu.memref_slice %arg6[%dma_start3A_211, %dma_start3A_212, %dma_start3A_213] : memref<6x128x128xf32, #tpu.memory_space<vmem>> -> memref<1x128x128xf32, #tpu.memory_space<vmem>>
        %dma_start3A_215 = tpu.memref_squeeze %dma_start3A_214 : memref<1x128x128xf32, #tpu.memory_space<vmem>> -> memref<128x128xf32, #tpu.memory_space<vmem>>
        %dma_start3A_216 = arith.constant 0 : i32
        %dma_start3A_217 = tpu.memref_slice %arg5[%add3A_210, %dma_start3A_216] : memref<50x128xi32, #tpu.memory_space<vmem>> -> memref<1x128xi32, #tpu.memory_space<vmem>>
        %dma_start3A_218 = tpu.memref_squeeze %dma_start3A_217 : memref<1x128xi32, #tpu.memory_space<vmem>> -> memref<128xi32, #tpu.memory_space<vmem>>
        %dma_start3A_219 = arith.constant 0 : i32
        %dma_start3A_220 = arith.constant 0 : i32
        %dma_start3A_221 = tpu.memref_slice %arg3[%dma_start3A_219, %dma_start3A_220] : memref<100000x128xf32, #tpu.memory_space<hbm>> -> memref<100000x128xf32, #tpu.memory_space<hbm>>
        tpu.enqueue_indirect_dma source(%dma_start3A_221 : memref<100000x128xf32, #tpu.memory_space<hbm>>) target(%dma_start3A_215 : memref<128x128xf32, #tpu.memory_space<vmem>>) offsets(%dma_start3A_218 : memref<128xi32, #tpu.memory_space<vmem>>) semaphore(%arg10 : memref<!tpu.dma_semaphore, #tpu.memory_space<semaphore_mem>>)
      } else {
      }
    }
    %scan3A_53 = arith.constant 9 : i32
    return
  }
}

</mosaic_0001>

<sc_bundles>
// kernel: kernel.3.cloned.1.call-start
scs
__scs_entry_jumppad:
0x0: {  	(pc) =	sbr.rel $0x88, $3  }
0x1: {  	(tag) =	ssettag $0x0;
	lr =	simm.s32 $0x1  }
0x2: {  	[smem:$0x3F9F] =	sst lr;
	_ =	strace $0xD0000000  }
0x3: {  	_ = 	snop  }
0x4: {  	_ = 	snop  }
0x5: {  	_ = 	snop  }
0x6: {  	_ = 	snop  }
0x7: {  	_ = 	snop  }
__scs_overlays_trampoline_lowered:
0x8: {  	[smem:$0x3FAE] =	sst s0  }
0x9: {  	[smem:$0x3FAF] =	sst s1  }
0xa: {  	[smem:$0x3FB0] =	sst s2  }
0xb: {  	[smem:$0x3FB1] =	sst s3  }
0xc: {  	[smem:$0x3FB2] =	sst s4  }
0xd: {  	[smem:$0x3FB3] =	sst s5  }
0xe: {  	[smem:$0x3FB4] =	sst s6  }
0xf: {  	[smem:$0x3FB5] =	sst s7  }
0x10: {  	[smem:$0x3FB6] =	sst s8  }
0x11: {  	[smem:$0x3FB7] =	sst s9;
	s0 =	simm.s32 @!p0 $0x0  }
0x12: {  	s1 =	sld [smem:$0x3F9D];
	s0 =	simm.s32 @p0 $0x1  }
0x13: {  	[smem:$0x3FB8] =	sst s0;
	s0 =	simm.s32 @!p1 $0x0  }
0x14: {  	s2 =	sld [smem:$0x3F9C];
	s0 =	simm.s32 @p1 $0x1  }
0x15: {  	[smem:$0x3FB9] =	sst s0;
	s0 =	simm.s32 @!p2 $0x0  }
0x16: {  	s3 =	sld [smem:$0x3FDB];
	s0 =	simm.s32 @p2 $0x1  }
0x17: {  	s4 =	simm.s32 $0x1BF5;
	[smem:$0x3FBB] =	sst s0  }
0x18: {  	s0 =	sld [smem:$0x3F9E];
	_ =	swait.ge [sflag:s4], $0x0  }
0x19: {  	s7 =	sld [smem:$0x3F9F]  }
0x1a: {  	s8 =	sadd.s32 $0xFFFFE003, lr  }
0x1b: {  	s9 =	sadd.s32 $0xFFFFFEF7, lr;
	s5 =	simm.s32 $0xFFFFFFFF;
	p2 =	slt.u32 s8, $0xFFFFF086  }
0x1c: {  	p1 =	slt.u32 s9, $0xF7A;
	s5 =	simm.s32 @!p2 $0x0  }
0x1d: {  	s5 =	simm.s32 @p1 $0x1;
	p0 =	seq.s32 s7, s2  }
0x1e: {  	s7 =	smul.u32 @!p0 $0xF7A, s2;
	p2 =	seq.s32 @!p0 s5, $0x0  }
0x1f: {  	s9 =	smul.u32 $0xF7A, s1;
	s8 =	simm.s32 @!p0 $0x1BF5;
	p2 =	por !p2, p0  }
0x20: {  	[sflag:s8] =	ssyncset.s32 @!p0 $0xFFFFF086;
	s6 =	sadd.s32 @!p0 s3, s7;
	s7 =	simm.s32 @!p0 $0x108  }
0x21: {  	s3 =	sadd.s32 s3, s9;
	s6 =	sadd.s32 @!p0 $0x88, s6;
	s7 =	simm.s32 @p2 $0x1082  }
0x22: {  	[simem:s7], [sflag:s8] =	dma.local @!p0 [hbm:s6], $0xF7A  }
0x23: {  	s9 =	sor.u32 $0xD0000000, s2;
	s6 =	simm.s32 $0x108;
	_ =	swait.ge @!p0 [sflag:s8], $0x0  }
0x24: {  	s3 =	sadd.s32 $0x88, s3;
	s6 =	simm.s32 @!p1 $0x1082;
	[sflag:s4] =	ssyncset.s32 $0xFFFFF086  }
0x25: {  	[simem:s6], [sflag:s4] =	dma.local [hbm:s3], $0xF7A  }
0x26: {  	[smem:$0x3F9F] =	sst s1;
	(tag) =	ssettag s2;
	_ =	strace s9  }
0x27: {  	s1 =	sld [smem:$0x3FAF]  }
0x28: {  	s2 =	sld [smem:$0x3FB0]  }
0x29: {  	s4 =	sld [smem:$0x3FB2]  }
0x2a: {  	p0 =	seq.s32 s5, $0x0;
	s5 =	sld [smem:$0x3FB3]  }
0x2b: {  	s6 =	sld [smem:$0x3FB4]  }
0x2c: {  	s7 =	sld [smem:$0x3FB5]  }
0x2d: {  	s3 =	simm.s32 $0x108;
	s8 =	sld [smem:$0x3FB6]  }
0x2e: {  	s3 =	simm.s32 @!p0 $0x1082;
	s9 =	sld [smem:$0x3FB7]  }
0x2f: {  	lr =	sadd.s32 s0, s3;
	s0 =	sld [smem:$0x3FAE]  }
0x30: {  	s3 =	sld [smem:$0x3FB1]  }
0x31: {  	[smem:$0x3FBA] =	sst s10  }
0x32: {  	s10 =	sld [smem:$0x3FB8];
	_ =	sdelay $0x3  }
0x33: {  	p0 =	seq.s32 s10, $0x1;
	s10 =	sld [smem:$0x3FBA];
	_ =	sdelay $0x3  }
0x34: {  	[smem:$0x3FBA] =	sst s10  }
0x35: {  	s10 =	sld [smem:$0x3FB9];
	_ =	sdelay $0x3  }
0x36: {  	p1 =	seq.s32 s10, $0x1;
	s10 =	sld [smem:$0x3FBA];
	_ =	sdelay $0x3  }
0x37: {  	[smem:$0x3FBA] =	sst s10  }
0x38: {  	s10 =	sld [smem:$0x3FBB]  }
0x39: {  	_ = 	snop;
	(pc) =	sbr.ind lr, $3  }
0x3a: {  	_ = 	snop  }
0x3b: {  	_ = 	snop  }
0x3c: {  	p2 =	seq.s32 s10, $0x1;
	s10 =	sld [smem:$0x3FBA]  }
0x3d: {  	_ =	shalt  }
0x3e: {  	_ =	shalt  }
0x3f: {  	_ =	shalt  }
0x40: {  	_ =	shalt  }
0x41: {  	_ =	shalt  }
0x42: {  	_ =	shalt  }
0x43: {  	_ =	shalt  }
0x44: {  	_ =	shalt  }
0x45: {  	_ =	shalt  }
0x46: {  	_ =	shalt  }
0x47: {  	_ =	shalt  }
0x48: {  	_ =	shalt  }
0x49: {  	_ =	shalt  }
0x4a: {  	_ =	shalt  }
0x4b: {  	_ =	shalt  }
0x4c: {  	_ =	shalt  }
0x4d: {  	_ =	shalt  }
0x4e: {  	_ =	shalt  }
0x4f: {  	_ =	shalt  }
0x50: {  	_ =	shalt  }
0x51: {  	_ =	shalt  }
0x52: {  	_ =	shalt  }
0x53: {  	_ =	shalt  }
0x54: {  	_ =	shalt  }
0x55: {  	_ =	shalt  }
0x56: {  	_ =	shalt  }
0x57: {  	_ =	shalt  }
0x58: {  	_ =	shalt  }
0x59: {  	_ =	shalt  }
0x5a: {  	_ =	shalt  }
0x5b: {  	_ =	shalt  }
0x5c: {  	_ =	shalt  }
0x5d: {  	_ =	shalt  }
0x5e: {  	_ =	shalt  }
0x5f: {  	_ =	shalt  }
0x60: {  	_ =	shalt  }
0x61: {  	_ =	shalt  }
0x62: {  	_ =	shalt  }
0x63: {  	_ =	shalt  }
0x64: {  	_ =	shalt  }
0x65: {  	_ =	shalt  }
0x66: {  	_ =	shalt  }
0x67: {  	_ =	shalt  }
0x68: {  	_ =	shalt  }
0x69: {  	_ =	shalt  }
0x6a: {  	_ =	shalt  }
0x6b: {  	_ =	shalt  }
0x6c: {  	_ =	shalt  }
0x6d: {  	_ =	shalt  }
0x6e: {  	_ =	shalt  }
0x6f: {  	_ =	shalt  }
0x70: {  	_ =	shalt  }
0x71: {  	_ =	shalt  }
0x72: {  	_ =	shalt  }
0x73: {  	_ =	shalt  }
0x74: {  	_ =	shalt  }
0x75: {  	_ =	shalt  }
0x76: {  	_ =	shalt  }
0x77: {  	_ =	shalt  }
0x78: {  	_ =	shalt  }
0x79: {  	_ =	shalt  }
0x7a: {  	_ =	shalt  }
0x7b: {  	_ =	shalt  }
0x7c: {  	_ =	shalt  }
0x7d: {  	_ =	shalt  }
0x7e: {  	_ =	shalt  }
0x7f: {  	_ =	shalt  }
0x80: {  	_ =	shalt  }
0x81: {  	_ =	shalt  }
0x82: {  	_ =	shalt  }
0x83: {  	_ =	shalt  }
0x84: {  	_ =	shalt  }
0x85: {  	_ =	shalt  }
0x86: {  	_ =	shalt  }
0x87: {  	_ =	shalt  }
.Lfunc_end0:
.L_simem_size_0:
called_computation_lowered:
.L_overlay_start_0:
0x88: {  	s2 =	sld [smem:$0x3FD9]  }
0x89: {  	s3 =	sld [smem:$0x3FFE];
	_ =	sdelay $0x1  }
0x8a: {  	s1 =	srdreg.scid  }
0x8b: {  	s0 =	sand.u32 $0x1, s1  }
0x8c: {  	s18 =	sshll.u32 s0, $0xA;
	s2 =	sadd.s32 s3, s2  }
0x8d: {  	s2 =	sadd.s32 s2, s18  }
0x8e: {  	[smem:$0x3FC6] =	sst s2  }
0x8f: {  	_ = 	snop  }
0x90: {  	s2 =	sld [smem:$0x3FC9]  }
0x91: {  	s19 =	sld [smem:$0x3FC8]  }
0x92: {  	s4 =	sld [smem:$0x3FD0];
	(tm) =	ssettm $0x1  }
0x93: {  	s5 =	sld [smem:$0x3FFB];
	_ =	sdelay $0x3  }
0x94: {  	_ =	strace s5  }
0x95: {  	s5 =	sld [smem:$0x3FFC];
	_ =	sdelay $0x3  }
0x96: {  	_ =	strace s5  }
0x97: {  	s5 =	sld [smem:$0x3FFD];
	_ =	sdelay $0x3  }
0x98: {  	_ =	strace s5  }
0x99: {  	_ =	strace $0x8FFFFFFF  }
0x9a: {  	s20 =	sld [smem:$0x3FDB];
	_ =	sdelay $0x1  }
0x9b: {  	s6 =	simm.s32 $_scs_section_size  }
0x9c: {  	s7 =	simm.s32 $_size__tile_overlayer_lowered;
	s8 =	simm.s32 $_tile_overlayer_lowered  }
0x9d: {  	s23 =	simm.s32 $0x1BFF;
	s22 =	sshll.u32 s8, $0x1;
	s5 =	sadd.s32 s6, s20  }
0x9e: {  	s9 =	simm.s32 $0x0;
	s21 =	sshll.u32 s7, $0x1;
	s7 =	sadd.s32 s22, s5  }
0x9f: {  	[timem:s9], [sflag:s23] =	dma.local [hbm:s7], s21  }
0xa0: {  	_ =	swait.ge [sflag:s23], s21  }
0xa1: {  	s6 =	ssub.s32 $0x0, s21;
	[sflag:s23] =	ssyncset.done $0x0  }
0xa2: {  	[sflag:s23] =	ssyncadd.s32 s6;
	_ =	sdelay $0x1  }
0xa3: {  	s24 =	simm.s32 $0x1B8B  }
0xa4: {  	_ =	swait.ge [sflag:s24], $0x1  }
0xa5: {  	[sflag:s24] =	ssyncset.done $0x0  }
0xa6: {  	s25 =	simm.s32 $0x1B8E;
	[sflag:s24] =	ssyncadd.s32 $0xFFFFFFFF  }
0xa7: {  	s26 =	simm.s32 $execute0_lowered;
	[smem:$0x3FD2] =	sst s25  }
0xa8: {  	s6 =	sshll.u32 s26, $0x1;
	_ =	strace $0x80000046;
	[dreg:$0x1] =	wrdreg $0xFFFFFFFF  }
0xa9: {  	s28 =	simm.s32 $_size_execute0_lowered;
	s5 =	sadd.s32 s5, s6;
	[dreg:$0x0] =	wrdreg $0x0  }
0xaa: {  	s6 =	sshll.u32 s28, $0x1;
	[dreg:$0x2] =	wrdreg s5  }
0xab: {  	[dreg:$0x3] =	wrdreg s6  }
0xac: {  	[dreg:$0x4] =	wrdreg $0xC0  }
0xad: {  	_ =	task [dreg:s9], $0x5FFFF  }
0xae: {  	[dreg:$0x1] =	wrdreg $0xFFFFFFFF  }
0xaf: {  	[dreg:$0x0] =	wrdreg $0x60  }
0xb0: {  	[dreg:$0x2] =	wrdreg s2  }
0xb1: {  	[dreg:$0x3] =	wrdreg s19  }
0xb2: {  	[dreg:$0x4] =	wrdreg s4  }
0xb3: {  	[dreg:$0x5] =	wrdreg $0x9  }
0xb4: {  	_ =	task.clear_ibuf [dreg:s9], $0x6FFFF;
	_ =	strace $0x90000046  }
0xb5: {  	s29 =	simm.s32 $0x9;
	_ =	strace $0x80000048  }
0xb6: {  	_ =	swait.ge [sflag:s29], $0x1  }
0xb7: {  	[sflag:s29] =	ssyncadd.s32 $0xFFFFFFFF  }
0xb8: {  	_ =	strace $0x90000048  }
0xb9: {  	_ =	sfence  }
0xba: {  	s30 =	sld [smem:$0x0];
	_ =	sdelay $0x2  }
0xbb: {  	s31 =	sshll.u32 s1, $0xD;
	s1 =	sshrl.u32 s1, $0x2  }
0xbc: {  	s3 =	sand.u32 $0x4000, s31;
	s1 =	sadd.s32 s1, s30  }
0xbd: {  	s0 =	sor.u32 s3, s0;
	s1 =	sshll.u32 s1, $0x11  }
0xbe: {  	s0 =	sor.u32 s1, s0  }
0xbf: {  	s0 =	sadd.s32 $0x8F2B, s0  }
0xc0: {  	[sflag:s0] =	ssyncadd.remote.s32 $0x1  }
0xc1: {  	_ =	sfence.sel $0xFFFF  }
0xc2: {  	[dreg:$0x0] =	wrdreg $0xFFFFFFFF;
	(pc) =	sbr.abs _section_cstart, $3  }
0xc3: {  	[dreg:$0x1] =	wrdreg $0xFFFFFFFF  }
0xc4: {  	_ =	task.clear_ibuf [dreg:s9], $0x2FFFF;
	_ =	strace $0x9FFFFFFF  }
0xc5: {  	(tm) =	ssettm $0x7FFFFFFF  }
tec
execute0_lowered:
.L_overlay_start_1:
0x0: {  	(tag) =	ssettag $0x1  }
0x1: {  	s0 =	rddreg [dreg:$0x0]  }
0x2: {  	s1 =	rddreg [dreg:$0x1];
	s4 =	simm.s32 $0x0;
	s2 =	srdreg.scid  }
0x3: {  	s10 =	stileid.u32;
	s16 =	simm.s32 $0x80;
	s17 =	simm.s32 $0x1C00  }
0x4: {  	s18 =	simm.s32 $0x5C00;
	s22 =	simm.s32 $0xDC00;
	s28 =	simm.s32 $0x15C00  }
0x5: {  	s29 =	simm.s32 $0x3;
	s30 =	simm.s32 $0x4;
	s31 =	simm.s32 $0x5  }
0x6: {  	s12 =	simm.s32 $0xA;
	[smem:$0x7FF] =	sst s4;
	s2 =	sand.u32 $0x1, s2  }
0x7: {  	s5 =	sshll.u32 s10, $0x8;
	s7 =	sshll.u32 s10, $0xF;
	s26 =	sshll.u32 s10, $0xC  }
0x8: {  	_ =	strace $0x80000047;
	s3 =	ssub.s32 $0x2, s2;
	s6 =	sshll.u32 s2, $0x7  }
0x9: {  	s8 =	sshll.u32 s2, $0xE;
	s2 =	sshll.u32 s2, $0xB;
	s9 =	sshrl.u32 s3, $0x1  }
0xa: {  	s5 =	sor.u32 s6, s5;
	s23 =	sor.u32 s8, s7;
	s11 =	sor.u32 s2, s26  }
0xb: {  	s26 =	simm.s32 $0x8;
	s2 =	simm.s32 $0x6;
	s6 =	simm.s32 $0x0  }
0xc: {  	s3 =	ssub.s32 s3, s9;
	s5 =	sadd.s32 s0, s5;
	s24 =	sor.u32 $0x180000, s23  }
.Ltmp0:
0xd: {  	s25 =	sor.u32 $0x100000, s23;
	s10 =	sshrl.u32 s23, $0x3;
	(pc) =	sbr.rel .LBB2_1-.Ltmp0, $4  }
0xe: {  	s23 =	simm.s32 $0x1;
	s0 =	simm.s32 $0x11C00;
	[dreg:$0x4] =	wrdreg s5  }
0xf: {  	s5 =	sadd.s32 $0x6000, s5;
	s3 =	smax.u32 s3, $0x1;
	s8 =	sshrl.u32 s24, $0x3  }
0x10: {  	s9 =	sshrl.u32 s25, $0x3;
	s24 =	simm.s32 $0x2;
	[dreg:$0x5] =	wrdreg s5  }
0x11: {  	s25 =	simm.s32 $0x7;
	[dreg:$0x6] =	wrdreg s3;
	s3 =	simm.s32 $0x9  }
.LBB2_6:
0x12: {  	_ =	swait.ge [sflag:s25], $0x4000  }
0x13: {  	[sflag:s25] =	ssyncset.done $0x0  }
0x14: {  	[sflag:s25] =	ssyncadd.s32 $0xFFFFC000  }
0x15: {  	_ =	swait.ge [sflag:s26], $0x4000  }
0x16: {  	[sflag:s26] =	ssyncset.done $0x0  }
0x17: {  	[sflag:s26] =	ssyncadd.s32 $0xFFFFC000  }
.LBB2_4:
0x18: {  	s6 =	rddreg [dreg:$0x7]  }
0x19: {  	s5 =	rddreg [dreg:$0x6];
	s6 =	sadd.s32 $0x1, s6  }
0x1a: {  	p0 =	sne.s32 s6, s5  }
.Ltmp1:
0x1b: {  	_ = 	snop;
	(pc) =	sbr.rel @!p0 .LBB2_5-.Ltmp1, $1  }
0x1c: {  	_ =	sdelay $0x3  }
.LBB2_1:
0x1d: {  	[dreg:$0x7] =	wrdreg s6  }
0x1e: {  	s5 =	rddreg [dreg:$0x4];
	s21 =	simm.s32 $0x400;
	s7 =	simm.s32 $0x8000  }
0x1f: {  	[tilespmem:s4], [sflag:$0xD] =	stream.strided.gather [hbm4b:s5+s21], $0x1800, s7, s21, $0x38;
	[tilespmem:$0x19C00] =	vst v63  }
0x20: {  	s13 =	rddreg [dreg:$0x5];
	s14 =	simm.s32 $0x1800;
	s15 =	simm.s32 $0xD  }
0x21: {  	[tilespmem:s14], [sflag:$0xD] =	stream.linear.gather [hbm4b:s13+s4], $0x100, $0x38;
	[tilespmem:$0x19C00] =	vst v63  }
0x22: {  	_ =	swait.ge [sflag:s15], $0x1900  }
0x23: {  	[sflag:s15] =	ssyncset.done $0x0  }
0x24: {  	[sflag:s15] =	ssyncadd.s32 $0xFFFFE700  }
0x25: {  	[tilespmem:s17], [sflag:$0x1] =	stream.indirect.gather [hbm4b:s1+s16], $0x80, s4, s16, $0xb8;
	[tilespmem:$0x19C00] =	vst v63  }
0x26: {  	_ = 	snop  }
0x27: {  	[tilespmem:s18], [sflag:$0x2] =	stream.indirect.gather [hbm4b:s1+s16], $0x80, s16, s16, $0xb8;
	[tilespmem:$0x19C00] =	vst v63  }
0x28: {  	s19 =	simm.s32 $0x100;
	s20 =	simm.s32 $0x9C00  }
0x29: {  	[tilespmem:s20], [sflag:$0x3] =	stream.indirect.gather [hbm4b:s1+s16], $0x80, s19, s16, $0xb8;
	[tilespmem:$0x19C00] =	vst v63  }
0x2a: {  	s6 =	simm.s32 $0x0;
	s21 =	simm.s32 $0x180  }
0x2b: {  	[tilespmem:s22], [sflag:$0x4] =	stream.indirect.gather [hbm4b:s1+s16], $0x80, s21, s16, $0xb8;
	[tilespmem:$0x19C00] =	vst v63  }
0x2c: {  	s14 =	simm.s32 $0xFFFFFFFE;
	s19 =	rddreg [dreg:$0x2];
	s21 =	simm.s32 $0x0  }
.LBB2_2:
0x2d: {  	_ =	swait.ge [sflag:s23], $0x4000  }
0x2e: {  	p0 =	sgt.u32 s14, $0x31;
	[sflag:s23] =	ssyncset.done $0x0  }
0x2f: {  	s5 =	sadd.s32 s19, s10;
	s7 =	simm.s32 @!p0 $0xB;
	[sflag:s23] =	ssyncadd.s32 $0xFFFFC000  }
0x30: {  	[hbm4b:s5+s4] =	stream.linear.scatter [tilespmem:s17], [sflag:$0x7], $0x4000, $0x38;
	[tilespmem:$0x19C00] =	vst v63  }
0x31: {  	_ =	swait.ge @!p0 [sflag:s7], $0x4000  }
0x32: {  	p1 =	seq.s32 s21, $0x6000;
	[sflag:s7] =	ssyncset.done @!p0 $0x0  }
0x33: {  	[sflag:s7] =	ssyncadd.s32 @!p0 $0xFFFFC000;
	s7 =	sshra.s32 @!p1 s21, $0x2  }
0x34: {  	s15 =	simm.s32 @!p1 $0x80;
	s13 =	simm.s32 @!p1 $0x11C00;
	s7 =	sadd.s32 @!p1 $0x200, s7  }
0x35: {  	[tilespmem:s13], [sflag:$0x5] =	stream.indirect.gather @!p1 [hbm4b:s1+s15], $0x80, s7, s15, $0xb8;
	[tilespmem:$0x19C00] =	vst v63  }
0x36: {  	_ =	swait.ge [sflag:s24], $0x4000  }
0x37: {  	[sflag:s24] =	ssyncset.done $0x0  }
0x38: {  	s5 =	sadd.s32 $0x10000, s5;
	[sflag:s24] =	ssyncadd.s32 $0xFFFFC000  }
0x39: {  	[hbm4b:s5+s4] =	stream.linear.scatter [tilespmem:s18], [sflag:$0x8], $0x4000, $0x38;
	[tilespmem:$0x19C00] =	vst v63  }
.Ltmp2:
0x3a: {  	_ = 	snop;
	(pc) =	sbr.rel @p1 .LBB2_6-.Ltmp2, $4  }
0x3b: {  	s5 =	simm.s32 @!p0 $0xC  }
0x3c: {  	_ =	swait.ge @!p0 [sflag:s5], $0x4000  }
0x3d: {  	[sflag:s5] =	ssyncset.done @!p0 $0x0  }
0x3e: {  	[sflag:s5] =	ssyncadd.s32 @!p0 $0xFFFFC000  }
0x3f: {  	s5 =	sshra.s32 s21, $0x2  }
0x40: {  	s7 =	sadd.s32 $0x280, s5  }
0x41: {  	[tilespmem:s28], [sflag:$0x6] =	stream.indirect.gather [hbm4b:s1+s16], $0x80, s7, s16, $0xb8;
	[tilespmem:$0x19C00] =	vst v63  }
0x42: {  	_ =	swait.ge [sflag:s29], $0x4000  }
0x43: {  	[sflag:s29] =	ssyncset.done $0x0  }
0x44: {  	s20 =	sadd.s32 s19, s9;
	s13 =	simm.s32 $0x9C00;
	[sflag:s29] =	ssyncadd.s32 $0xFFFFC000  }
0x45: {  	[hbm4b:s20+s4] =	stream.linear.scatter [tilespmem:s13], [sflag:$0x9], $0x4000, $0x38;
	[tilespmem:$0x19C00] =	vst v63  }
0x46: {  	_ =	swait.ge [sflag:s25], $0x4000  }
0x47: {  	[sflag:s25] =	ssyncset.done $0x0  }
0x48: {  	s13 =	sadd.s32 $0x300, s5;
	[sflag:s25] =	ssyncadd.s32 $0xFFFFC000  }
0x49: {  	[tilespmem:s17], [sflag:$0x1] =	stream.indirect.gather [hbm4b:s1+s16], $0x80, s13, s16, $0xb8;
	[tilespmem:$0x19C00] =	vst v63  }
0x4a: {  	_ =	swait.ge [sflag:s30], $0x4000  }
0x4b: {  	[sflag:s30] =	ssyncset.done $0x0  }
0x4c: {  	s15 =	sadd.s32 s19, s8;
	[sflag:s30] =	ssyncadd.s32 $0xFFFFC000  }
0x4d: {  	[hbm4b:s15+s4] =	stream.linear.scatter [tilespmem:s22], [sflag:$0xA], $0x4000, $0x38;
	[tilespmem:$0x19C00] =	vst v63  }
0x4e: {  	_ =	swait.ge [sflag:s26], $0x4000  }
0x4f: {  	[sflag:s26] =	ssyncset.done $0x0  }
0x50: {  	s5 =	sadd.s32 $0x380, s5;
	[sflag:s26] =	ssyncadd.s32 $0xFFFFC000  }
0x51: {  	[tilespmem:s18], [sflag:$0x2] =	stream.indirect.gather [hbm4b:s1+s16], $0x80, s5, s16, $0xb8;
	[tilespmem:$0x19C00] =	vst v63  }
0x52: {  	_ =	swait.ge [sflag:s31], $0x4000  }
0x53: {  	s7 =	sadd.s32 s19, s11;
	[sflag:s31] =	ssyncset.done $0x0  }
0x54: {  	s20 =	sadd.s32 $0x40000, s7;
	[sflag:s31] =	ssyncadd.s32 $0xFFFFC000  }
0x55: {  	[hbm4b:s20+s4] =	stream.linear.scatter [tilespmem:s0], [sflag:$0xB], $0x4000, $0x38;
	[tilespmem:$0x19C00] =	vst v63  }
0x56: {  	p0 =	sgt.u32 s6, $0x6;
	_ =	swait.ge [sflag:s3], $0x4000  }
0x57: {  	s15 =	simm.s32 @!p0 $0x80;
	s5 =	sshra.s32 @!p0 s21, $0x2;
	[sflag:s3] =	ssyncset.done $0x0  }
0x58: {  	s13 =	sadd.s32 @!p0 $0x400, s5;
	s20 =	simm.s32 @!p0 $0x9C00;
	[sflag:s3] =	ssyncadd.s32 $0xFFFFC000  }
0x59: {  	[tilespmem:s20], [sflag:$0x3] =	stream.indirect.gather @!p0 [hbm4b:s1+s15], $0x80, s13, s15, $0xb8;
	[tilespmem:$0x19C00] =	vst v63  }
0x5a: {  	_ =	swait.ge [sflag:s2], $0x4000  }
0x5b: {  	[sflag:s2] =	ssyncset.done $0x0  }
0x5c: {  	s7 =	sadd.s32 $0x50000, s7;
	[sflag:s2] =	ssyncadd.s32 $0xFFFFC000  }
0x5d: {  	[hbm4b:s7+s4] =	stream.linear.scatter [tilespmem:s28], [sflag:$0xC], $0x4000, $0x38;
	[tilespmem:$0x19C00] =	vst v63  }
0x5e: {  	_ =	swait.ge [sflag:s12], $0x4000  }
0x5f: {  	s21 =	sadd.s32 $0xC00, s21;
	[sflag:s12] =	ssyncset.done $0x0  }
0x60: {  	s5 =	sadd.s32 @!p0 $0x480, s5;
	s7 =	simm.s32 @!p0 $0xDC00;
	[sflag:s12] =	ssyncadd.s32 $0xFFFFC000  }
0x61: {  	[tilespmem:s7], [sflag:$0x4] =	stream.indirect.gather @!p0 [hbm4b:s1+s15], $0x80, s5, s15, $0xb8;
	[tilespmem:$0x19C00] =	vst v63  }
0x62: {  	p0 =	sne.s32 s21, $0x6C00  }
.Ltmp3:
0x63: {  	_ = 	snop;
	(pc) =	sbr.rel @p0 .LBB2_2-.Ltmp3, $4  }
.Ltmp4:
0x64: {  	_ = 	snop;
	(pc) =	sbr.rel @!p0 .LBB2_4-.Ltmp4, $4  }
0x65: {  	_ = 	snop  }
0x66: {  	_ = 	snop  }
0x67: {  	s6 =	sadd.s32 $0x1, s6;
	s14 =	sadd.s32 $0x6, s14;
	s19 =	sadd.s32 $0x60000, s19  }
0x68: {  	_ = 	snop  }
.LBB2_5:
0x69: {  	_ =	sfence.sel $0x180000  }
0x6a: {  	[bflag:$0x0] =	sbarrier.arrive $0xFFFF  }
0x6b: {  	_ =	strace $0x90000047  }
0x6c: {  	s0 =	stileid.u32;
	[bflag:$0x2] =	sbarrier.arrive $0xFFFF  }
0x6d: {  	p0 =	sne.s32 s0, $0x0;
	s0 =	rddreg [dreg:$0x3]  }
0x6e: {  	s0 =	sadd.s32 @!p0 $0x100000, s0  }
0x6f: {  	[sflag:s0] =	ssyncadd.tile.s32 @!p0 $0x1;
	_ =	shalt  }
.Lfunc_end2:
_tile_overlayer_lowered:
.L_overlay_start_2:
0x70: {  	(tag) =	ssettag $0x2  }
0x71: {  	s0 =	rddreg [dreg:$0x0];
	s2 =	stileid.u32  }
0x72: {  	s1 =	rddreg [dreg:$0x1];
	p0 =	sne.s32 s2, $0x0  }
0x73: {  	s3 =	rddreg [dreg:$0x2];
	[bflag:$0x3] =	sbarrier.arrive $0xFFFF;
	s2 =	simm.s32 @!p0 $0x1C0D  }
0x74: {  	[timem:s3], [sflag:s2] =	dma.local @!p0 [hbm:s0], s1  }
0x75: {  	s0 =	simm.s32 @!p0 $0xD  }
0x76: {  	_ =	swait.ge @!p0 [sflag:s0], s1  }
0x77: {  	s1 =	ssub.s32 @!p0 $0x0, s1;
	[sflag:s0] =	ssyncset.done @!p0 $0x0  }
0x78: {  	[sflag:s0] =	ssyncadd.s32 @!p0 s1  }
0x79: {  	[bflag:$0x3] =	sbarrier.arrive $0xFFFF  }
0x7a: {  	_ =	shalt  }

</sc_bundles>
